<compile_context>
chip_gen: v7x
topology: tpu7x:2x2x1
jax: 0.10.2.dev20260603
libtpu: 0.0.44.dev20260713+nightly
codegen_flags: <defaults>
</compile_context>

<pallas_src>
import dataclasses
import functools

import numpy as np

import jax
import jax.numpy as jnp
from jax import lax
from jax.experimental import pallas as pl
from jax.experimental.pallas import tpu as pltpu
from jax.experimental.pallas import tpu_sc as plsc

N = 10000
D = 128
H = 128
E = 320000

NC = 2
NS = 16
NW = NC * NS
K = 128
CPW = 80
G = 8
NG = CPW // G
E_PAD = NW * CPW * K
N_PAD = 10240
NR = N_PAD // 128
RPS = N_PAD // NS

_mesh = plsc.VectorSubcoreMesh(core_axis_name="c", subcore_axis_name="s")

_sc_params = pltpu.CompilerParams()
if "needs_layout_passes" in pltpu.CompilerParams.__dataclass_fields__:
  _sc_params = dataclasses.replace(_sc_params, needs_layout_passes=False)


@functools.partial(
    pl.kernel,
    out_type=jax.ShapeDtypeStruct((NC, N_PAD, H), jnp.float32),
    mesh=_mesh,
    scratch_types=[
        pltpu.VMEM((CPW // 2, K), jnp.int32),
        pltpu.VMEM((CPW // 2, K), jnp.int32),
        pltpu.VMEM((K, H), jnp.float32),
        pltpu.VMEM((K, H), jnp.float32),
        pltpu.VMEM_SHARED((N_PAD, H), jnp.float32),
        pltpu.SemaphoreType.DMA,
        pltpu.SemaphoreType.DMA,
    ],
)
def _agg128(table_hbm, src_hbm, dst_hbm, zeros_hbm, out_hbm,
            src_v, dst_v, rows_a, rows_b, acc_sh, gsem_a, gsem_b):
  core = lax.axis_index("c")
  sub = lax.axis_index("s")
  w = core * NS + sub
  hc = CPW // 2
  pltpu.sync_copy(zeros_hbm, acc_sh.at[pl.ds(sub * RPS, RPS)])
  plsc.subcore_barrier()

  for half in range(2):
    pltpu.sync_copy(src_hbm.at[w, pl.ds(half * hc, hc)], src_v)
    pltpu.sync_copy(dst_hbm.at[w, pl.ds(half * hc, hc)], dst_v)
    pltpu.async_copy(table_hbm.at[src_v.at[0]], rows_a, gsem_a)
    pltpu.async_copy(table_hbm.at[src_v.at[1]], rows_b, gsem_b)

    @pl.loop(0, hc - 2, step=2)
    def _(j):
      pltpu.make_async_copy(table_hbm.at[pl.ds(0, K)], rows_a, gsem_a).wait()
      pltpu.sync_copy(rows_a, acc_sh.at[dst_v.at[j]], add=True)
      pltpu.async_copy(table_hbm.at[src_v.at[j + 2]], rows_a, gsem_a)
      pltpu.make_async_copy(table_hbm.at[pl.ds(0, K)], rows_b, gsem_b).wait()
      pltpu.sync_copy(rows_b, acc_sh.at[dst_v.at[j + 1]], add=True)
      pltpu.async_copy(table_hbm.at[src_v.at[j + 3]], rows_b, gsem_b)

    pltpu.make_async_copy(table_hbm.at[pl.ds(0, K)], rows_a, gsem_a).wait()
    pltpu.sync_copy(rows_a, acc_sh.at[dst_v.at[hc - 2]], add=True)
    pltpu.make_async_copy(table_hbm.at[pl.ds(0, K)], rows_b, gsem_b).wait()
    pltpu.sync_copy(rows_b, acc_sh.at[dst_v.at[hc - 1]], add=True)

  plsc.subcore_barrier()
  pltpu.sync_copy(acc_sh.at[pl.ds(sub * RPS, RPS)],
                  out_hbm.at[core, pl.ds(sub * RPS, RPS)])


@functools.partial(
    pl.kernel,
    out_type=jax.ShapeDtypeStruct((NW, NR, 128), jnp.float32),
    mesh=_mesh,
    scratch_types=[
        pltpu.VMEM((CPW, K), jnp.int32),
        pltpu.VMEM((NR, 128), jnp.float32),
    ],
    compiler_params=_sc_params,
)
def _hist(dst_hbm, zeros_hbm, out_hbm, dst_v, acc_v):
  core = lax.axis_index("c")
  sub = lax.axis_index("s")
  w = core * NS + sub
  pltpu.sync_copy(zeros_hbm, acc_v)
  pltpu.sync_copy(dst_hbm.at[w], dst_v)
  ones = jnp.full((16,), 1.0, jnp.float32)

  @pl.loop(0, CPW)
  def _(j):
    @pl.loop(0, K, step=16)
    def _(t):
      d = dst_v[j, pl.ds(t, 16)]
      plsc.addupdate_scatter(
          acc_v, [jax.lax.shift_right_logical(d, 7), d & 127], ones)

  pltpu.sync_copy(acc_v, out_hbm.at[w])


@functools.partial(
    pl.kernel,
    out_type=jax.ShapeDtypeStruct((NW, NR, 128), jnp.float32),
    mesh=_mesh,
    scratch_types=[
        pltpu.VMEM((CPW, K), jnp.int32),
        pltpu.VMEM((CPW, K), jnp.int32),
        pltpu.VMEM((NR, 128), jnp.float32),
        pltpu.VMEM((NR, 128), jnp.float32),
    ],
    compiler_params=_sc_params,
)
def _sagg(z_hbm, src_hbm, dst_hbm, zeros_hbm, out_hbm,
          src_v, dst_v, z_v, acc_v):
  core = lax.axis_index("c")
  sub = lax.axis_index("s")
  w = core * NS + sub
  pltpu.sync_copy(zeros_hbm, acc_v)
  pltpu.sync_copy(z_hbm, z_v)
  pltpu.sync_copy(src_hbm.at[w], src_v)
  pltpu.sync_copy(dst_hbm.at[w], dst_v)

  @pl.loop(0, CPW)
  def _(j):
    @pl.loop(0, K, step=16)
    def _(t):
      s = src_v[j, pl.ds(t, 16)]
      d = dst_v[j, pl.ds(t, 16)]
      vals = plsc.load_gather(
          z_v, [jax.lax.shift_right_logical(s, 7), s & 127])
      plsc.addupdate_scatter(
          acc_v, [jax.lax.shift_right_logical(d, 7), d & 127], vals)

  pltpu.sync_copy(acc_v, out_hbm.at[w])


RB = 2000


def _mm1_body(x_ref, w_ref, o_ref):
  x = x_ref[...]
  w = w_ref[...]
  xh = x.astype(jnp.bfloat16).astype(jnp.float32)
  xl = x - xh
  wh = w.astype(jnp.bfloat16).astype(jnp.float32)
  wl = w - wh
  dims = (((1,), (1,)), ((), ()))
  dot = functools.partial(
      lax.dot_general, dimension_numbers=dims,
      preferred_element_type=jnp.float32)
  o_ref[...] = dot(xh, wh) + dot(xh, wl) + dot(xl, wh)


_mm1 = pl.pallas_call(
    _mm1_body,
    grid=(N // RB,),
    in_specs=[pl.BlockSpec((RB, D), lambda i: (i, 0)),
              pl.BlockSpec((H, D), lambda i: (0, 0))],
    out_specs=pl.BlockSpec((RB, H), lambda i: (i, 0)),
    out_shape=jax.ShapeDtypeStruct((N, H), jnp.float32),
)


def _dinv_body(degp_ref, o_ref):
  deg = jnp.full((NR, 128), 1.0, jnp.float32)
  for i in range(NW):
    deg = deg + degp_ref[i]
  o_ref[...] = lax.rsqrt(deg)


_dinv = pl.pallas_call(
    _dinv_body,
    grid=(1,),
    in_specs=[pl.BlockSpec((NW, NR, 128), lambda i: (0, 0, 0))],
    out_specs=pl.BlockSpec((NR, 128), lambda i: (0, 0)),
    out_shape=jax.ShapeDtypeStruct((NR, 128), jnp.float32),
)


def _scale1_body(xw_ref, dinv_ref, o_y):
  o_y[...] = xw_ref[...] * dinv_ref[...]


_scale1 = pl.pallas_call(
    _scale1_body,
    grid=(N // RB,),
    in_specs=[pl.BlockSpec((RB, H), lambda i: (i, 0)),
              pl.BlockSpec((RB, 1), lambda i: (i, 0))],
    out_specs=pl.BlockSpec((RB, H), lambda i: (i, 0)),
    out_shape=jax.ShapeDtypeStruct((N, H), jnp.float32),
)


def _layer2_body(accp_ref, y_ref, dinv_ref, b1_ref, w2_ref, o_z):
  s = accp_ref[0] + accp_ref[1] + y_ref[...]
  h = jnp.maximum(s * dinv_ref[...] + b1_ref[...][None, :], 0.0)
  o_z[...] = jnp.sum(h * w2_ref[...], axis=1, keepdims=True) * dinv_ref[...]


_layer2 = pl.pallas_call(
    _layer2_body,
    grid=(N // RB,),
    in_specs=[pl.BlockSpec((2, RB, H), lambda i: (0, i, 0)),
              pl.BlockSpec((RB, H), lambda i: (i, 0)),
              pl.BlockSpec((RB, 1), lambda i: (i, 0)),
              pl.BlockSpec((H,), lambda i: (0,)),
              pl.BlockSpec((1, H), lambda i: (0, 0))],
    out_specs=pl.BlockSpec((RB, 1), lambda i: (i, 0)),
    out_shape=jax.ShapeDtypeStruct((N, 1), jnp.float32),
)


def _final_body(acc2p_ref, z_ref, dinv_ref, b2_ref, o_ref):
  s = z_ref[...]
  for i in range(NW):
    s = s + acc2p_ref[i]
  o_ref[...] = dinv_ref[...] * s + b2_ref[...]


_final = pl.pallas_call(
    _final_body,
    grid=(1,),
    in_specs=[pl.BlockSpec((NW, NR, 128), lambda i: (0, 0, 0)),
              pl.BlockSpec((NR, 128), lambda i: (0, 0)),
              pl.BlockSpec((NR, 128), lambda i: (0, 0)),
              pl.BlockSpec((1,), lambda i: (0,))],
    out_specs=pl.BlockSpec((NR, 128), lambda i: (0, 0)),
    out_shape=jax.ShapeDtypeStruct((NR, 128), jnp.float32),
)


def kernel(x, edge_index, W1, b1, W2, b2):
  src = edge_index[0]
  dst = edge_index[1]
  pad_idx = jnp.asarray(
      N + np.arange(E_PAD - E, dtype=np.int32) % (N_PAD - N))
  pad_src = pad_idx
  pad_dst = pad_idx
  src3 = jnp.concatenate([src, pad_src]).reshape(NW, CPW, K)
  dst3 = jnp.concatenate([dst, pad_dst]).reshape(NW, CPW, K)

  zeros_nr = jnp.zeros((NR, 128), jnp.float32)
  zeros128 = jnp.zeros((RPS, H), jnp.float32)

  degp = _hist(dst3, zeros_nr)
  xw = _mm1(x, W1)
  dinv80 = _dinv(degp)
  dinv = dinv80.reshape(N_PAD, 1)[:N]
  y = _scale1(xw, dinv)
  y_pad = jnp.concatenate(
      [y, jnp.zeros((N_PAD - N, H), jnp.float32)], axis=0)
  accp = _agg128(y_pad, src3, dst3, zeros128)
  z = _layer2(accp[:, :N, :], y, dinv, b1, W2)
  z80 = jnp.concatenate(
      [z[:, 0], jnp.zeros((N_PAD - N,), jnp.float32)]).reshape(NR, 128)
  acc2p = _sagg(z80, src3, dst3, zeros_nr)
  out80 = _final(acc2p, z80, dinv80, b2)
  return out80.reshape(N_PAD)[:N]

# --- scband reference (transcript-rebuilt; emitter-appended) ---
"""Pipeline reference for scband-gcn-18640158065246 (READ-ONLY COPY).

The authoritative reference and input builder live on the scoring server;
editing this copy changes nothing except your own understanding.
"""

import jax, jax.numpy as jnp
import numpy as np

N = 10000
E = 320000
D = 128
H = 128


def gcn_conv(x, edge_index, W, b, n):
    # PyG-style GCNConv: x' = D^{-1/2} (A + I) D^{-1/2} X W + b
    src = edge_index[0]
    dst = edge_index[1]
    loop = jnp.arange(n, dtype=src.dtype)
    src = jnp.concatenate([src, loop])
    dst = jnp.concatenate([dst, loop])
    xw = x @ W.T
    deg = jnp.zeros((n,), dtype=xw.dtype).at[dst].add(1.0)
    dinv = jnp.where(deg > 0, deg ** -0.5, 0.0)
    norm = dinv[src] * dinv[dst]
    msg = xw[src] * norm[:, None]
    out = jnp.zeros((n, xw.shape[1]), dtype=xw.dtype).at[dst].add(msg)
    return out + b


def setup_inputs(seed: int = 0) -> dict:
    key = jax.random.key(seed)
    k1, k2, k3, k4, k5, k6 = jax.random.split(key, 6)
    x = jax.random.normal(k1, (N, D), dtype=jnp.float32)
    edge_index = jax.random.randint(k2, (2, E), 0, N, dtype=jnp.int32)
    # kaiming_normal init for lin weights, zeros for biases
    W1 = jax.random.normal(k3, (H, D), dtype=jnp.float32) * np.sqrt(2.0 / D)
    b1 = jnp.zeros((H,), dtype=jnp.float32)
    W2 = jax.random.normal(k4, (1, H), dtype=jnp.float32) * np.sqrt(2.0 / H)
    b2 = jnp.zeros((1,), dtype=jnp.float32)
    return {"x": x, "edge_index": edge_index, "W1": W1, "b1": b1, "W2": W2, "b2": b2}


def reference(x, edge_index, W1, b1, W2, b2):
    n = x.shape[0]
    h = gcn_conv(x, edge_index, W1, b1, n)
    h = jax.nn.relu(h)
    # dropout is identity in eval mode (training=False)
    out = gcn_conv(h, edge_index, W2, b2, n)
    return out.squeeze(-1)

if __name__ == "__main__":
    import jax
    _d = setup_inputs()
    print(jax.jit(kernel)(*tuple(_d.values())))

</pallas_src>

<mosaic_0001>
#map = affine_map<(d0, d1) -> (0, 0, 0)>
#map1 = affine_map<(d0, d1) -> (0, 0)>
module attributes {stable_mosaic.version = 14 : i64} {
  func.func @_hist(%arg0: i32, %arg1: i32, %arg2: memref<32x80x128xi32, #tpu.memory_space<hbm>>, %arg3: memref<80x128xf32, #tpu.memory_space<hbm>>, %arg4: memref<32x80x128xf32, #tpu.memory_space<hbm>>, %arg5: memref<80x128xi32, #tpu.memory_space<vmem>>, %arg6: memref<80x128xf32, #tpu.memory_space<vmem>>) attributes {dimension_semantics = [#tpu.dimension_semantics<core_parallel>, #tpu.dimension_semantics<subcore_parallel>], iteration_bounds = array<i64: 2, 16>, scalar_prefetch = 0 : i64, scratch_operands = 2 : i64, tpu.core_type = #tpu.core_type<sc_vector_subcore>, window_params = [{transform_indices = #map}, {transform_indices = #map1}, {transform_indices = #map}]} {
    %mul3A = arith.constant 16 : i32
    %mul3A_0 = arith.muli %arg0, %mul3A : i32
    %add3A = arith.addi %mul3A_0, %arg1 : i32
    "tpu.region"() ({
      %run_scoped3A = tpu.sem_alloc : memref<!tpu.dma_semaphore, #tpu.memory_space<semaphore_mem>>
      tpu.enqueue_dma source(%arg3 : memref<80x128xf32, #tpu.memory_space<hbm>>) target(%arg6 : memref<80x128xf32, #tpu.memory_space<vmem>>) target_semaphore(%run_scoped3A : memref<!tpu.dma_semaphore, #tpu.memory_space<semaphore_mem>>)
      tpu.wait_dma2 semaphore(%run_scoped3A : memref<!tpu.dma_semaphore, #tpu.memory_space<semaphore_mem>>) src(%arg3 : memref<80x128xf32, #tpu.memory_space<hbm>>) dst(%arg6 : memref<80x128xf32, #tpu.memory_space<vmem>>)
      tpu.yield
    }) : () -> ()
    "tpu.region"() ({
      %run_scoped3A = tpu.sem_alloc : memref<!tpu.dma_semaphore, #tpu.memory_space<semaphore_mem>>
      %dma_start3A = arith.constant 0 : i32
      %dma_start3A_6 = arith.constant 0 : i32
      %dma_start3A_7 = tpu.memref_slice %arg2[%add3A, %dma_start3A, %dma_start3A_6] : memref<32x80x128xi32, #tpu.memory_space<hbm>> -> memref<1x80x128xi32, #tpu.memory_space<hbm>>
      %dma_start3A_8 = tpu.memref_squeeze %dma_start3A_7 : memref<1x80x128xi32, #tpu.memory_space<hbm>> -> memref<80x128xi32, #tpu.memory_space<hbm>>
      %dma_start3A_9 = arith.constant 0 : i32
      %dma_start3A_10 = arith.constant 0 : i32
      %dma_start3A_11 = tpu.memref_slice %arg2[%add3A, %dma_start3A_9, %dma_start3A_10] : memref<32x80x128xi32, #tpu.memory_space<hbm>> -> memref<1x80x128xi32, #tpu.memory_space<hbm>>
      %dma_start3A_12 = tpu.memref_squeeze %dma_start3A_11 : memref<1x80x128xi32, #tpu.memory_space<hbm>> -> memref<80x128xi32, #tpu.memory_space<hbm>>
      tpu.enqueue_dma source(%dma_start3A_12 : memref<80x128xi32, #tpu.memory_space<hbm>>) target(%arg5 : memref<80x128xi32, #tpu.memory_space<vmem>>) target_semaphore(%run_scoped3A : memref<!tpu.dma_semaphore, #tpu.memory_space<semaphore_mem>>)
      %dma_wait3A = arith.constant 0 : i32
      %dma_wait3A_13 = arith.constant 0 : i32
      %dma_wait3A_14 = tpu.memref_slice %arg2[%add3A, %dma_wait3A, %dma_wait3A_13] : memref<32x80x128xi32, #tpu.memory_space<hbm>> -> memref<1x80x128xi32, #tpu.memory_space<hbm>>
      %dma_wait3A_15 = tpu.memref_squeeze %dma_wait3A_14 : memref<1x80x128xi32, #tpu.memory_space<hbm>> -> memref<80x128xi32, #tpu.memory_space<hbm>>
      %dma_wait3A_16 = arith.constant 0 : i32
      %dma_wait3A_17 = arith.constant 0 : i32
      %dma_wait3A_18 = tpu.memref_slice %arg2[%add3A, %dma_wait3A_16, %dma_wait3A_17] : memref<32x80x128xi32, #tpu.memory_space<hbm>> -> memref<1x80x128xi32, #tpu.memory_space<hbm>>
      %dma_wait3A_19 = tpu.memref_squeeze %dma_wait3A_18 : memref<1x80x128xi32, #tpu.memory_space<hbm>> -> memref<80x128xi32, #tpu.memory_space<hbm>>
      tpu.wait_dma2 semaphore(%run_scoped3A : memref<!tpu.dma_semaphore, #tpu.memory_space<semaphore_mem>>) src(%dma_wait3A_19 : memref<80x128xi32, #tpu.memory_space<hbm>>) dst(%arg5 : memref<80x128xi32, #tpu.memory_space<vmem>>)
      tpu.yield
    }) : () -> ()
    %broadcast_in_dim3A = arith.constant 1.000000e+00 : f32
    %broadcast_in_dim3A_1 = vector.broadcast %broadcast_in_dim3A : f32 to vector<16xf32>
    %scan3A = arith.constant 0 : i32
    %scan3A_2 = arith.constant 80 : i32
    %scan3A_3 = arith.addi %scan3A, %scan3A_2 : i32
    %scan3A_4 = arith.constant 1 : i32
    scf.for %scan3A_6 = %scan3A to %scan3A_3 step %scan3A_4  : i32 {
      %mul3A_7 = arith.constant 1 : i32
      %mul3A_8 = arith.muli %scan3A_6, %mul3A_7 : i32
      %add3A_9 = arith.constant 0 : i32
      %add3A_10 = arith.addi %add3A_9, %mul3A_8 : i32
      %scan3A_11 = arith.constant 0 : i32
      %scan3A_12 = arith.constant 8 : i32
      %scan3A_13 = arith.addi %scan3A_11, %scan3A_12 : i32
      %scan3A_14 = arith.constant 1 : i32
      scf.for %scan3A_16 = %scan3A_11 to %scan3A_13 step %scan3A_14  : i32 {
        %mul3A_17 = arith.constant 16 : i32
        %mul3A_18 = arith.muli %scan3A_16, %mul3A_17 : i32
        %add3A_19 = arith.constant 0 : i32
        %add3A_20 = arith.addi %add3A_19, %mul3A_18 : i32
        %get3A = arith.index_cast %add3A_10 : i32 to index
        %get3A_21 = arith.index_cast %add3A_20 : i32 to index
        %get3A_22 = tpu.vector_load %arg5[%get3A, %get3A_21] {strides = array<i32>} : memref<80x128xi32, #tpu.memory_space<vmem>>, vector<16xi32>,
        %shift_right_logical3A = arith.constant 7 : i32
        %shift_right_logical3A_23 = vector.broadcast %shift_right_logical3A : i32 to vector<16xi32>
        %shift_right_logical3A_24 = arith.shrui %get3A_22, %shift_right_logical3A_23 : vector<16xi32>
        %and3A = arith.constant 127 : i32
        %and3A_25 = vector.broadcast %and3A : i32 to vector<16xi32>
        %and3A_26 = arith.andi %get3A_22, %and3A_25 : vector<16xi32>
        tpu.vector_store_idx %arg6[%shift_right_logical3A_24, %and3A_26], %broadcast_in_dim3A_1 {add = true} : memref<80x128xf32, #tpu.memory_space<vmem>>[vector<16xi32>, vector<16xi32>], vector<16xf32>,
      }
      %scan3A_15 = arith.constant 8 : i32
    }
    %scan3A_5 = arith.constant 80 : i32
    "tpu.region"() ({
      %run_scoped3A = tpu.sem_alloc : memref<!tpu.dma_semaphore, #tpu.memory_space<semaphore_mem>>
      %dma_start3A = arith.constant 0 : i32
      %dma_start3A_6 = arith.constant 0 : i32
      %dma_start3A_7 = tpu.memref_slice %arg4[%add3A, %dma_start3A, %dma_start3A_6] : memref<32x80x128xf32, #tpu.memory_space<hbm>> -> memref<1x80x128xf32, #tpu.memory_space<hbm>>
      %dma_start3A_8 = tpu.memref_squeeze %dma_start3A_7 : memref<1x80x128xf32, #tpu.memory_space<hbm>> -> memref<80x128xf32, #tpu.memory_space<hbm>>
      %dma_start3A_9 = arith.constant 0 : i32
      %dma_start3A_10 = arith.constant 0 : i32
      %dma_start3A_11 = tpu.memref_slice %arg4[%add3A, %dma_start3A_9, %dma_start3A_10] : memref<32x80x128xf32, #tpu.memory_space<hbm>> -> memref<1x80x128xf32, #tpu.memory_space<hbm>>
      %dma_start3A_12 = tpu.memref_squeeze %dma_start3A_11 : memref<1x80x128xf32, #tpu.memory_space<hbm>> -> memref<80x128xf32, #tpu.memory_space<hbm>>
      tpu.enqueue_dma source(%arg6 : memref<80x128xf32, #tpu.memory_space<vmem>>) target(%dma_start3A_12 : memref<80x128xf32, #tpu.memory_space<hbm>>) target_semaphore(%run_scoped3A : memref<!tpu.dma_semaphore, #tpu.memory_space<semaphore_mem>>)
      %dma_wait3A = arith.constant 0 : i32
      %dma_wait3A_13 = arith.constant 0 : i32
      %dma_wait3A_14 = tpu.memref_slice %arg4[%add3A, %dma_wait3A, %dma_wait3A_13] : memref<32x80x128xf32, #tpu.memory_space<hbm>> -> memref<1x80x128xf32, #tpu.memory_space<hbm>>
      %dma_wait3A_15 = tpu.memref_squeeze %dma_wait3A_14 : memref<1x80x128xf32, #tpu.memory_space<hbm>> -> memref<80x128xf32, #tpu.memory_space<hbm>>
      %dma_wait3A_16 = arith.constant 0 : i32
      %dma_wait3A_17 = arith.constant 0 : i32
      %dma_wait3A_18 = tpu.memref_slice %arg4[%add3A, %dma_wait3A_16, %dma_wait3A_17] : memref<32x80x128xf32, #tpu.memory_space<hbm>> -> memref<1x80x128xf32, #tpu.memory_space<hbm>>
      %dma_wait3A_19 = tpu.memref_squeeze %dma_wait3A_18 : memref<1x80x128xf32, #tpu.memory_space<hbm>> -> memref<80x128xf32, #tpu.memory_space<hbm>>
      tpu.wait_dma2 semaphore(%run_scoped3A : memref<!tpu.dma_semaphore, #tpu.memory_space<semaphore_mem>>) src(%arg6 : memref<80x128xf32, #tpu.memory_space<vmem>>) dst(%dma_wait3A_19 : memref<80x128xf32, #tpu.memory_space<hbm>>)
      tpu.yield
    }) : () -> ()
    return
  }
}

#map = affine_map<(d0, d1) -> (0, 0)>
#map1 = affine_map<(d0, d1) -> (0, 0, 0)>
module attributes {stable_mosaic.version = 14 : i64} {
  func.func @_agg128(%arg0: i32, %arg1: i32, %arg2: memref<10240x128xf32, #tpu.memory_space<hbm>>, %arg3: memref<32x80x128xi32, #tpu.memory_space<hbm>>, %arg4: memref<32x80x128xi32, #tpu.memory_space<hbm>>, %arg5: memref<640x128xf32, #tpu.memory_space<hbm>>, %arg6: memref<2x10240x128xf32, #tpu.memory_space<hbm>>, %arg7: memref<40x128xi32, #tpu.memory_space<vmem>>, %arg8: memref<40x128xi32, #tpu.memory_space<vmem>>, %arg9: memref<128x128xf32, #tpu.memory_space<vmem>>, %arg10: memref<128x128xf32, #tpu.memory_space<vmem>>, %arg11: memref<10240x128xf32, #tpu.memory_space<vmem_shared>>, %arg12: memref<!tpu.dma_semaphore, #tpu.memory_space<semaphore_mem>>, %arg13: memref<!tpu.dma_semaphore, #tpu.memory_space<semaphore_mem>>) attributes {dimension_semantics = [#tpu.dimension_semantics<core_parallel>, #tpu.dimension_semantics<subcore_parallel>], iteration_bounds = array<i64: 2, 16>, scalar_prefetch = 0 : i64, scratch_operands = 7 : i64, tpu.core_type = #tpu.core_type<sc_vector_subcore>, window_params = [{transform_indices = #map}, {transform_indices = #map1}, {transform_indices = #map1}, {transform_indices = #map}, {transform_indices = #map1}]} {
    %mul3A = arith.constant 16 : i32
    %mul3A_0 = arith.muli %arg0, %mul3A : i32
    %add3A = arith.addi %mul3A_0, %arg1 : i32
    %mul3A_1 = arith.constant 640 : i32
    %mul3A_2 = arith.muli %arg1, %mul3A_1 : i32
    "tpu.region"() ({
      %run_scoped3A_70 = tpu.sem_alloc : memref<!tpu.dma_semaphore, #tpu.memory_space<semaphore_mem>>
      %dma_start3A_71 = arith.constant 0 : i32
      %dma_start3A_72 = tpu.memref_slice %arg11[%mul3A_2, %dma_start3A_71] : memref<10240x128xf32, #tpu.memory_space<vmem_shared>> -> memref<640x128xf32, #tpu.memory_space<vmem_shared>>
      tpu.enqueue_dma source(%arg5 : memref<640x128xf32, #tpu.memory_space<hbm>>) target(%dma_start3A_72 : memref<640x128xf32, #tpu.memory_space<vmem_shared>>) target_semaphore(%run_scoped3A_70 : memref<!tpu.dma_semaphore, #tpu.memory_space<semaphore_mem>>)
      %dma_wait3A_73 = arith.constant 0 : i32
      %dma_wait3A_74 = tpu.memref_slice %arg11[%mul3A_2, %dma_wait3A_73] : memref<10240x128xf32, #tpu.memory_space<vmem_shared>> -> memref<640x128xf32, #tpu.memory_space<vmem_shared>>
      tpu.wait_dma2 semaphore(%run_scoped3A_70 : memref<!tpu.dma_semaphore, #tpu.memory_space<semaphore_mem>>) src(%arg5 : memref<640x128xf32, #tpu.memory_space<hbm>>) dst(%dma_wait3A_74 : memref<640x128xf32, #tpu.memory_space<vmem_shared>>)
      tpu.yield
    }) : () -> ()
    %barrier3A = arith.constant 0 : index
    tpu.barrier barrier_id(%barrier3A)
    "tpu.region"() ({
      %run_scoped3A_70 = tpu.sem_alloc : memref<!tpu.dma_semaphore, #tpu.memory_space<semaphore_mem>>
      %dma_start3A_71 = arith.constant 0 : i32
      %dma_start3A_72 = arith.constant 0 : i32
      %dma_start3A_73 = tpu.memref_slice %arg3[%add3A, %dma_start3A_71, %dma_start3A_72] : memref<32x80x128xi32, #tpu.memory_space<hbm>> -> memref<1x40x128xi32, #tpu.memory_space<hbm>>
      %dma_start3A_74 = tpu.memref_squeeze %dma_start3A_73 : memref<1x40x128xi32, #tpu.memory_space<hbm>> -> memref<40x128xi32, #tpu.memory_space<hbm>>
      %dma_start3A_75 = arith.constant 0 : i32
      %dma_start3A_76 = arith.constant 0 : i32
      %dma_start3A_77 = tpu.memref_slice %arg3[%add3A, %dma_start3A_75, %dma_start3A_76] : memref<32x80x128xi32, #tpu.memory_space<hbm>> -> memref<1x40x128xi32, #tpu.memory_space<hbm>>
      %dma_start3A_78 = tpu.memref_squeeze %dma_start3A_77 : memref<1x40x128xi32, #tpu.memory_space<hbm>> -> memref<40x128xi32, #tpu.memory_space<hbm>>
      tpu.enqueue_dma source(%dma_start3A_78 : memref<40x128xi32, #tpu.memory_space<hbm>>) target(%arg7 : memref<40x128xi32, #tpu.memory_space<vmem>>) target_semaphore(%run_scoped3A_70 : memref<!tpu.dma_semaphore, #tpu.memory_space<semaphore_mem>>)
      %dma_wait3A_79 = arith.constant 0 : i32
      %dma_wait3A_80 = arith.constant 0 : i32
      %dma_wait3A_81 = tpu.memref_slice %arg3[%add3A, %dma_wait3A_79, %dma_wait3A_80] : memref<32x80x128xi32, #tpu.memory_space<hbm>> -> memref<1x40x128xi32, #tpu.memory_space<hbm>>
      %dma_wait3A_82 = tpu.memref_squeeze %dma_wait3A_81 : memref<1x40x128xi32, #tpu.memory_space<hbm>> -> memref<40x128xi32, #tpu.memory_space<hbm>>
      %dma_wait3A_83 = arith.constant 0 : i32
      %dma_wait3A_84 = arith.constant 0 : i32
      %dma_wait3A_85 = tpu.memref_slice %arg3[%add3A, %dma_wait3A_83, %dma_wait3A_84] : memref<32x80x128xi32, #tpu.memory_space<hbm>> -> memref<1x40x128xi32, #tpu.memory_space<hbm>>
      %dma_wait3A_86 = tpu.memref_squeeze %dma_wait3A_85 : memref<1x40x128xi32, #tpu.memory_space<hbm>> -> memref<40x128xi32, #tpu.memory_space<hbm>>
      tpu.wait_dma2 semaphore(%run_scoped3A_70 : memref<!tpu.dma_semaphore, #tpu.memory_space<semaphore_mem>>) src(%dma_wait3A_86 : memref<40x128xi32, #tpu.memory_space<hbm>>) dst(%arg7 : memref<40x128xi32, #tpu.memory_space<vmem>>)
      tpu.yield
    }) : () -> ()
    "tpu.region"() ({
      %run_scoped3A_70 = tpu.sem_alloc : memref<!tpu.dma_semaphore, #tpu.memory_space<semaphore_mem>>
      %dma_start3A_71 = arith.constant 0 : i32
      %dma_start3A_72 = arith.constant 0 : i32
      %dma_start3A_73 = tpu.memref_slice %arg4[%add3A, %dma_start3A_71, %dma_start3A_72] : memref<32x80x128xi32, #tpu.memory_space<hbm>> -> memref<1x40x128xi32, #tpu.memory_space<hbm>>
      %dma_start3A_74 = tpu.memref_squeeze %dma_start3A_73 : memref<1x40x128xi32, #tpu.memory_space<hbm>> -> memref<40x128xi32, #tpu.memory_space<hbm>>
      %dma_start3A_75 = arith.constant 0 : i32
      %dma_start3A_76 = arith.constant 0 : i32
      %dma_start3A_77 = tpu.memref_slice %arg4[%add3A, %dma_start3A_75, %dma_start3A_76] : memref<32x80x128xi32, #tpu.memory_space<hbm>> -> memref<1x40x128xi32, #tpu.memory_space<hbm>>
      %dma_start3A_78 = tpu.memref_squeeze %dma_start3A_77 : memref<1x40x128xi32, #tpu.memory_space<hbm>> -> memref<40x128xi32, #tpu.memory_space<hbm>>
      tpu.enqueue_dma source(%dma_start3A_78 : memref<40x128xi32, #tpu.memory_space<hbm>>) target(%arg8 : memref<40x128xi32, #tpu.memory_space<vmem>>) target_semaphore(%run_scoped3A_70 : memref<!tpu.dma_semaphore, #tpu.memory_space<semaphore_mem>>)
      %dma_wait3A_79 = arith.constant 0 : i32
      %dma_wait3A_80 = arith.constant 0 : i32
      %dma_wait3A_81 = tpu.memref_slice %arg4[%add3A, %dma_wait3A_79, %dma_wait3A_80] : memref<32x80x128xi32, #tpu.memory_space<hbm>> -> memref<1x40x128xi32, #tpu.memory_space<hbm>>
      %dma_wait3A_82 = tpu.memref_squeeze %dma_wait3A_81 : memref<1x40x128xi32, #tpu.memory_space<hbm>> -> memref<40x128xi32, #tpu.memory_space<hbm>>
      %dma_wait3A_83 = arith.constant 0 : i32
      %dma_wait3A_84 = arith.constant 0 : i32
      %dma_wait3A_85 = tpu.memref_slice %arg4[%add3A, %dma_wait3A_83, %dma_wait3A_84] : memref<32x80x128xi32, #tpu.memory_space<hbm>> -> memref<1x40x128xi32, #tpu.memory_space<hbm>>
      %dma_wait3A_86 = tpu.memref_squeeze %dma_wait3A_85 : memref<1x40x128xi32, #tpu.memory_space<hbm>> -> memref<40x128xi32, #tpu.memory_space<hbm>>
      tpu.wait_dma2 semaphore(%run_scoped3A_70 : memref<!tpu.dma_semaphore, #tpu.memory_space<semaphore_mem>>) src(%dma_wait3A_86 : memref<40x128xi32, #tpu.memory_space<hbm>>) dst(%arg8 : memref<40x128xi32, #tpu.memory_space<vmem>>)
      tpu.yield
    }) : () -> ()
    %dma_start3A = arith.constant 0 : i32
    %dma_start3A_3 = arith.constant 0 : i32
    %dma_start3A_4 = tpu.memref_slice %arg7[%dma_start3A, %dma_start3A_3] : memref<40x128xi32, #tpu.memory_space<vmem>> -> memref<1x128xi32, #tpu.memory_space<vmem>>
    %dma_start3A_5 = tpu.memref_squeeze %dma_start3A_4 : memref<1x128xi32, #tpu.memory_space<vmem>> -> memref<128xi32, #tpu.memory_space<vmem>>
    %dma_start3A_6 = arith.constant 0 : i32
    %dma_start3A_7 = arith.constant 0 : i32
    %dma_start3A_8 = tpu.memref_slice %arg2[%dma_start3A_6, %dma_start3A_7] : memref<10240x128xf32, #tpu.memory_space<hbm>> -> memref<10240x128xf32, #tpu.memory_space<hbm>>
    tpu.enqueue_indirect_dma source(%dma_start3A_8 : memref<10240x128xf32, #tpu.memory_space<hbm>>) target(%arg9 : memref<128x128xf32, #tpu.memory_space<vmem>>) offsets(%dma_start3A_5 : memref<128xi32, #tpu.memory_space<vmem>>) semaphore(%arg12 : memref<!tpu.dma_semaphore, #tpu.memory_space<semaphore_mem>>)
    %dma_start3A_9 = arith.constant 1 : i32
    %dma_start3A_10 = arith.constant 0 : i32
    %dma_start3A_11 = tpu.memref_slice %arg7[%dma_start3A_9, %dma_start3A_10] : memref<40x128xi32, #tpu.memory_space<vmem>> -> memref<1x128xi32, #tpu.memory_space<vmem>>
    %dma_start3A_12 = tpu.memref_squeeze %dma_start3A_11 : memref<1x128xi32, #tpu.memory_space<vmem>> -> memref<128xi32, #tpu.memory_space<vmem>>
    %dma_start3A_13 = arith.constant 0 : i32
    %dma_start3A_14 = arith.constant 0 : i32
    %dma_start3A_15 = tpu.memref_slice %arg2[%dma_start3A_13, %dma_start3A_14] : memref<10240x128xf32, #tpu.memory_space<hbm>> -> memref<10240x128xf32, #tpu.memory_space<hbm>>
    tpu.enqueue_indirect_dma source(%dma_start3A_15 : memref<10240x128xf32, #tpu.memory_space<hbm>>) target(%arg10 : memref<128x128xf32, #tpu.memory_space<vmem>>) offsets(%dma_start3A_12 : memref<128xi32, #tpu.memory_space<vmem>>) semaphore(%arg13 : memref<!tpu.dma_semaphore, #tpu.memory_space<semaphore_mem>>)
    %scan3A = arith.constant 0 : i32
    %scan3A_16 = arith.constant 19 : i32
    %scan3A_17 = arith.addi %scan3A, %scan3A_16 : i32
    %scan3A_18 = arith.constant 1 : i32
    scf.for %scan3A_70 = %scan3A to %scan3A_17 step %scan3A_18  : i32 {
      %mul3A_71 = arith.constant 2 : i32
      %mul3A_72 = arith.muli %scan3A_70, %mul3A_71 : i32
      %add3A_73 = arith.constant 0 : i32
      %add3A_74 = arith.addi %add3A_73, %mul3A_72 : i32
      %dma_wait3A_75 = arith.constant 0 : i32
      %dma_wait3A_76 = arith.constant 0 : i32
      %dma_wait3A_77 = tpu.memref_slice %arg2[%dma_wait3A_75, %dma_wait3A_76] : memref<10240x128xf32, #tpu.memory_space<hbm>> -> memref<128x128xf32, #tpu.memory_space<hbm>>
      %dma_wait3A_78 = arith.constant 0 : i32
      %dma_wait3A_79 = arith.constant 0 : i32
      %dma_wait3A_80 = tpu.memref_slice %arg2[%dma_wait3A_78, %dma_wait3A_79] : memref<10240x128xf32, #tpu.memory_space<hbm>> -> memref<128x128xf32, #tpu.memory_space<hbm>>
      tpu.wait_dma2 semaphore(%arg12 : memref<!tpu.dma_semaphore, #tpu.memory_space<semaphore_mem>>) src(%dma_wait3A_80 : memref<128x128xf32, #tpu.memory_space<hbm>>) dst(%arg9 : memref<128x128xf32, #tpu.memory_space<vmem>>)
      "tpu.region"() ({
        %run_scoped3A_105 = tpu.sem_alloc : memref<!tpu.dma_semaphore, #tpu.memory_space<semaphore_mem>>
        %dma_start3A_106 = arith.constant 0 : i32
        %dma_start3A_107 = tpu.memref_slice %arg8[%add3A_74, %dma_start3A_106] : memref<40x128xi32, #tpu.memory_space<vmem>> -> memref<1x128xi32, #tpu.memory_space<vmem>>
        %dma_start3A_108 = tpu.memref_squeeze %dma_start3A_107 : memref<1x128xi32, #tpu.memory_space<vmem>> -> memref<128xi32, #tpu.memory_space<vmem>>
        %dma_start3A_109 = arith.constant 0 : i32
        %dma_start3A_110 = arith.constant 0 : i32
        %dma_start3A_111 = tpu.memref_slice %arg11[%dma_start3A_109, %dma_start3A_110] : memref<10240x128xf32, #tpu.memory_space<vmem_shared>> -> memref<10240x128xf32, #tpu.memory_space<vmem_shared>>
        tpu.enqueue_indirect_dma source(%arg9 : memref<128x128xf32, #tpu.memory_space<vmem>>) target(%dma_start3A_111 : memref<10240x128xf32, #tpu.memory_space<vmem_shared>>) offsets(%dma_start3A_108 : memref<128xi32, #tpu.memory_space<vmem>>) semaphore(%run_scoped3A_105 : memref<!tpu.dma_semaphore, #tpu.memory_space<semaphore_mem>>) {add = true}
        %dma_wait3A_112 = arith.constant 0 : i32
        %dma_wait3A_113 = tpu.memref_slice %arg8[%add3A_74, %dma_wait3A_112] : memref<40x128xi32, #tpu.memory_space<vmem>> -> memref<1x128xi32, #tpu.memory_space<vmem>>
        %dma_wait3A_114 = tpu.memref_squeeze %dma_wait3A_113 : memref<1x128xi32, #tpu.memory_space<vmem>> -> memref<128xi32, #tpu.memory_space<vmem>>
        %dma_wait3A_115 = arith.constant 0 : i32
        %dma_wait3A_116 = arith.constant 0 : i32
        %dma_wait3A_117 = tpu.memref_slice %arg11[%dma_wait3A_115, %dma_wait3A_116] : memref<10240x128xf32, #tpu.memory_space<vmem_shared>> -> memref<10240x128xf32, #tpu.memory_space<vmem_shared>>
        tpu.wait_indirect_dma semaphore(%run_scoped3A_105 : memref<!tpu.dma_semaphore, #tpu.memory_space<semaphore_mem>>) src(%arg9 : memref<128x128xf32, #tpu.memory_space<vmem>>) dst(%dma_wait3A_117 : memref<10240x128xf32, #tpu.memory_space<vmem_shared>>)
        tpu.yield
      }) : () -> ()
      %add3A_81 = arith.constant 2 : i32
      %add3A_82 = arith.addi %add3A_74, %add3A_81 : i32
      %dma_start3A_83 = arith.constant 0 : i32
      %dma_start3A_84 = tpu.memref_slice %arg7[%add3A_82, %dma_start3A_83] : memref<40x128xi32, #tpu.memory_space<vmem>> -> memref<1x128xi32, #tpu.memory_space<vmem>>
      %dma_start3A_85 = tpu.memref_squeeze %dma_start3A_84 : memref<1x128xi32, #tpu.memory_space<vmem>> -> memref<128xi32, #tpu.memory_space<vmem>>
      %dma_start3A_86 = arith.constant 0 : i32
      %dma_start3A_87 = arith.constant 0 : i32
      %dma_start3A_88 = tpu.memref_slice %arg2[%dma_start3A_86, %dma_start3A_87] : memref<10240x128xf32, #tpu.memory_space<hbm>> -> memref<10240x128xf32, #tpu.memory_space<hbm>>
      tpu.enqueue_indirect_dma source(%dma_start3A_88 : memref<10240x128xf32, #tpu.memory_space<hbm>>) target(%arg9 : memref<128x128xf32, #tpu.memory_space<vmem>>) offsets(%dma_start3A_85 : memref<128xi32, #tpu.memory_space<vmem>>) semaphore(%arg12 : memref<!tpu.dma_semaphore, #tpu.memory_space<semaphore_mem>>)
      %dma_wait3A_89 = arith.constant 0 : i32
      %dma_wait3A_90 = arith.constant 0 : i32
      %dma_wait3A_91 = tpu.memref_slice %arg2[%dma_wait3A_89, %dma_wait3A_90] : memref<10240x128xf32, #tpu.memory_space<hbm>> -> memref<128x128xf32, #tpu.memory_space<hbm>>
      %dma_wait3A_92 = arith.constant 0 : i32
      %dma_wait3A_93 = arith.constant 0 : i32
      %dma_wait3A_94 = tpu.memref_slice %arg2[%dma_wait3A_92, %dma_wait3A_93] : memref<10240x128xf32, #tpu.memory_space<hbm>> -> memref<128x128xf32, #tpu.memory_space<hbm>>
      tpu.wait_dma2 semaphore(%arg13 : memref<!tpu.dma_semaphore, #tpu.memory_space<semaphore_mem>>) src(%dma_wait3A_94 : memref<128x128xf32, #tpu.memory_space<hbm>>) dst(%arg10 : memref<128x128xf32, #tpu.memory_space<vmem>>)
      %add3A_95 = arith.constant 1 : i32
      %add3A_96 = arith.addi %add3A_74, %add3A_95 : i32
      "tpu.region"() ({
        %run_scoped3A_105 = tpu.sem_alloc : memref<!tpu.dma_semaphore, #tpu.memory_space<semaphore_mem>>
        %dma_start3A_106 = arith.constant 0 : i32
        %dma_start3A_107 = tpu.memref_slice %arg8[%add3A_96, %dma_start3A_106] : memref<40x128xi32, #tpu.memory_space<vmem>> -> memref<1x128xi32, #tpu.memory_space<vmem>>
        %dma_start3A_108 = tpu.memref_squeeze %dma_start3A_107 : memref<1x128xi32, #tpu.memory_space<vmem>> -> memref<128xi32, #tpu.memory_space<vmem>>
        %dma_start3A_109 = arith.constant 0 : i32
        %dma_start3A_110 = arith.constant 0 : i32
        %dma_start3A_111 = tpu.memref_slice %arg11[%dma_start3A_109, %dma_start3A_110] : memref<10240x128xf32, #tpu.memory_space<vmem_shared>> -> memref<10240x128xf32, #tpu.memory_space<vmem_shared>>
        tpu.enqueue_indirect_dma source(%arg10 : memref<128x128xf32, #tpu.memory_space<vmem>>) target(%dma_start3A_111 : memref<10240x128xf32, #tpu.memory_space<vmem_shared>>) offsets(%dma_start3A_108 : memref<128xi32, #tpu.memory_space<vmem>>) semaphore(%run_scoped3A_105 : memref<!tpu.dma_semaphore, #tpu.memory_space<semaphore_mem>>) {add = true}
        %dma_wait3A_112 = arith.constant 0 : i32
        %dma_wait3A_113 = tpu.memref_slice %arg8[%add3A_96, %dma_wait3A_112] : memref<40x128xi32, #tpu.memory_space<vmem>> -> memref<1x128xi32, #tpu.memory_space<vmem>>
        %dma_wait3A_114 = tpu.memref_squeeze %dma_wait3A_113 : memref<1x128xi32, #tpu.memory_space<vmem>> -> memref<128xi32, #tpu.memory_space<vmem>>
        %dma_wait3A_115 = arith.constant 0 : i32
        %dma_wait3A_116 = arith.constant 0 : i32
        %dma_wait3A_117 = tpu.memref_slice %arg11[%dma_wait3A_115, %dma_wait3A_116] : memref<10240x128xf32, #tpu.memory_space<vmem_shared>> -> memref<10240x128xf32, #tpu.memory_space<vmem_shared>>
        tpu.wait_indirect_dma semaphore(%run_scoped3A_105 : memref<!tpu.dma_semaphore, #tpu.memory_space<semaphore_mem>>) src(%arg10 : memref<128x128xf32, #tpu.memory_space<vmem>>) dst(%dma_wait3A_117 : memref<10240x128xf32, #tpu.memory_space<vmem_shared>>)
        tpu.yield
      }) : () -> ()
      %add3A_97 = arith.constant 3 : i32
      %add3A_98 = arith.addi %add3A_74, %add3A_97 : i32
      %dma_start3A_99 = arith.constant 0 : i32
      %dma_start3A_100 = tpu.memref_slice %arg7[%add3A_98, %dma_start3A_99] : memref<40x128xi32, #tpu.memory_space<vmem>> -> memref<1x128xi32, #tpu.memory_space<vmem>>
      %dma_start3A_101 = tpu.memref_squeeze %dma_start3A_100 : memref<1x128xi32, #tpu.memory_space<vmem>> -> memref<128xi32, #tpu.memory_space<vmem>>
      %dma_start3A_102 = arith.constant 0 : i32
      %dma_start3A_103 = arith.constant 0 : i32
      %dma_start3A_104 = tpu.memref_slice %arg2[%dma_start3A_102, %dma_start3A_103] : memref<10240x128xf32, #tpu.memory_space<hbm>> -> memref<10240x128xf32, #tpu.memory_space<hbm>>
      tpu.enqueue_indirect_dma source(%dma_start3A_104 : memref<10240x128xf32, #tpu.memory_space<hbm>>) target(%arg10 : memref<128x128xf32, #tpu.memory_space<vmem>>) offsets(%dma_start3A_101 : memref<128xi32, #tpu.memory_space<vmem>>) semaphore(%arg13 : memref<!tpu.dma_semaphore, #tpu.memory_space<semaphore_mem>>)
    }
    %scan3A_19 = arith.constant 19 : i32
    %dma_wait3A = arith.constant 0 : i32
    %dma_wait3A_20 = arith.constant 0 : i32
    %dma_wait3A_21 = tpu.memref_slice %arg2[%dma_wait3A, %dma_wait3A_20] : memref<10240x128xf32, #tpu.memory_space<hbm>> -> memref<128x128xf32, #tpu.memory_space<hbm>>
    %dma_wait3A_22 = arith.constant 0 : i32
    %dma_wait3A_23 = arith.constant 0 : i32
    %dma_wait3A_24 = tpu.memref_slice %arg2[%dma_wait3A_22, %dma_wait3A_23] : memref<10240x128xf32, #tpu.memory_space<hbm>> -> memref<128x128xf32, #tpu.memory_space<hbm>>
    tpu.wait_dma2 semaphore(%arg12 : memref<!tpu.dma_semaphore, #tpu.memory_space<semaphore_mem>>) src(%dma_wait3A_24 : memref<128x128xf32, #tpu.memory_space<hbm>>) dst(%arg9 : memref<128x128xf32, #tpu.memory_space<vmem>>)
    %run_scoped3A = arith.constant 38 : i32
    "tpu.region"() ({
      %run_scoped3A_70 = tpu.sem_alloc : memref<!tpu.dma_semaphore, #tpu.memory_space<semaphore_mem>>
      %dma_start3A_71 = arith.constant 0 : i32
      %dma_start3A_72 = tpu.memref_slice %arg8[%run_scoped3A, %dma_start3A_71] : memref<40x128xi32, #tpu.memory_space<vmem>> -> memref<1x128xi32, #tpu.memory_space<vmem>>
      %dma_start3A_73 = tpu.memref_squeeze %dma_start3A_72 : memref<1x128xi32, #tpu.memory_space<vmem>> -> memref<128xi32, #tpu.memory_space<vmem>>
      %dma_start3A_74 = arith.constant 0 : i32
      %dma_start3A_75 = arith.constant 0 : i32
      %dma_start3A_76 = tpu.memref_slice %arg11[%dma_start3A_74, %dma_start3A_75] : memref<10240x128xf32, #tpu.memory_space<vmem_shared>> -> memref<10240x128xf32, #tpu.memory_space<vmem_shared>>
      tpu.enqueue_indirect_dma source(%arg9 : memref<128x128xf32, #tpu.memory_space<vmem>>) target(%dma_start3A_76 : memref<10240x128xf32, #tpu.memory_space<vmem_shared>>) offsets(%dma_start3A_73 : memref<128xi32, #tpu.memory_space<vmem>>) semaphore(%run_scoped3A_70 : memref<!tpu.dma_semaphore, #tpu.memory_space<semaphore_mem>>) {add = true}
      %dma_wait3A_77 = arith.constant 0 : i32
      %dma_wait3A_78 = tpu.memref_slice %arg8[%run_scoped3A, %dma_wait3A_77] : memref<40x128xi32, #tpu.memory_space<vmem>> -> memref<1x128xi32, #tpu.memory_space<vmem>>
      %dma_wait3A_79 = tpu.memref_squeeze %dma_wait3A_78 : memref<1x128xi32, #tpu.memory_space<vmem>> -> memref<128xi32, #tpu.memory_space<vmem>>
      %dma_wait3A_80 = arith.constant 0 : i32
      %dma_wait3A_81 = arith.constant 0 : i32
      %dma_wait3A_82 = tpu.memref_slice %arg11[%dma_wait3A_80, %dma_wait3A_81] : memref<10240x128xf32, #tpu.memory_space<vmem_shared>> -> memref<10240x128xf32, #tpu.memory_space<vmem_shared>>
      tpu.wait_indirect_dma semaphore(%run_scoped3A_70 : memref<!tpu.dma_semaphore, #tpu.memory_space<semaphore_mem>>) src(%arg9 : memref<128x128xf32, #tpu.memory_space<vmem>>) dst(%dma_wait3A_82 : memref<10240x128xf32, #tpu.memory_space<vmem_shared>>)
      tpu.yield
    }) : () -> ()
    %dma_wait3A_25 = arith.constant 0 : i32
    %dma_wait3A_26 = arith.constant 0 : i32
    %dma_wait3A_27 = tpu.memref_slice %arg2[%dma_wait3A_25, %dma_wait3A_26] : memref<10240x128xf32, #tpu.memory_space<hbm>> -> memref<128x128xf32, #tpu.memory_space<hbm>>
    %dma_wait3A_28 = arith.constant 0 : i32
    %dma_wait3A_29 = arith.constant 0 : i32
    %dma_wait3A_30 = tpu.memref_slice %arg2[%dma_wait3A_28, %dma_wait3A_29] : memref<10240x128xf32, #tpu.memory_space<hbm>> -> memref<128x128xf32, #tpu.memory_space<hbm>>
    tpu.wait_dma2 semaphore(%arg13 : memref<!tpu.dma_semaphore, #tpu.memory_space<semaphore_mem>>) src(%dma_wait3A_30 : memref<128x128xf32, #tpu.memory_space<hbm>>) dst(%arg10 : memref<128x128xf32, #tpu.memory_space<vmem>>)
    %run_scoped3A_31 = arith.constant 39 : i32
    "tpu.region"() ({
      %run_scoped3A_70 = tpu.sem_alloc : memref<!tpu.dma_semaphore, #tpu.memory_space<semaphore_mem>>
      %dma_start3A_71 = arith.constant 0 : i32
      %dma_start3A_72 = tpu.memref_slice %arg8[%run_scoped3A_31, %dma_start3A_71] : memref<40x128xi32, #tpu.memory_space<vmem>> -> memref<1x128xi32, #tpu.memory_space<vmem>>
      %dma_start3A_73 = tpu.memref_squeeze %dma_start3A_72 : memref<1x128xi32, #tpu.memory_space<vmem>> -> memref<128xi32, #tpu.memory_space<vmem>>
      %dma_start3A_74 = arith.constant 0 : i32
      %dma_start3A_75 = arith.constant 0 : i32
      %dma_start3A_76 = tpu.memref_slice %arg11[%dma_start3A_74, %dma_start3A_75] : memref<10240x128xf32, #tpu.memory_space<vmem_shared>> -> memref<10240x128xf32, #tpu.memory_space<vmem_shared>>
      tpu.enqueue_indirect_dma source(%arg10 : memref<128x128xf32, #tpu.memory_space<vmem>>) target(%dma_start3A_76 : memref<10240x128xf32, #tpu.memory_space<vmem_shared>>) offsets(%dma_start3A_73 : memref<128xi32, #tpu.memory_space<vmem>>) semaphore(%run_scoped3A_70 : memref<!tpu.dma_semaphore, #tpu.memory_space<semaphore_mem>>) {add = true}
      %dma_wait3A_77 = arith.constant 0 : i32
      %dma_wait3A_78 = tpu.memref_slice %arg8[%run_scoped3A_31, %dma_wait3A_77] : memref<40x128xi32, #tpu.memory_space<vmem>> -> memref<1x128xi32, #tpu.memory_space<vmem>>
      %dma_wait3A_79 = tpu.memref_squeeze %dma_wait3A_78 : memref<1x128xi32, #tpu.memory_space<vmem>> -> memref<128xi32, #tpu.memory_space<vmem>>
      %dma_wait3A_80 = arith.constant 0 : i32
      %dma_wait3A_81 = arith.constant 0 : i32
      %dma_wait3A_82 = tpu.memref_slice %arg11[%dma_wait3A_80, %dma_wait3A_81] : memref<10240x128xf32, #tpu.memory_space<vmem_shared>> -> memref<10240x128xf32, #tpu.memory_space<vmem_shared>>
      tpu.wait_indirect_dma semaphore(%run_scoped3A_70 : memref<!tpu.dma_semaphore, #tpu.memory_space<semaphore_mem>>) src(%arg10 : memref<128x128xf32, #tpu.memory_space<vmem>>) dst(%dma_wait3A_82 : memref<10240x128xf32, #tpu.memory_space<vmem_shared>>)
      tpu.yield
    }) : () -> ()
    "tpu.region"() ({
      %run_scoped3A_70 = tpu.sem_alloc : memref<!tpu.dma_semaphore, #tpu.memory_space<semaphore_mem>>
      %dma_start3A_71 = arith.constant 40 : i32
      %dma_start3A_72 = arith.constant 0 : i32
      %dma_start3A_73 = tpu.memref_slice %arg3[%add3A, %dma_start3A_71, %dma_start3A_72] : memref<32x80x128xi32, #tpu.memory_space<hbm>> -> memref<1x40x128xi32, #tpu.memory_space<hbm>>
      %dma_start3A_74 = tpu.memref_squeeze %dma_start3A_73 : memref<1x40x128xi32, #tpu.memory_space<hbm>> -> memref<40x128xi32, #tpu.memory_space<hbm>>
      %dma_start3A_75 = arith.constant 40 : i32
      %dma_start3A_76 = arith.constant 0 : i32
      %dma_start3A_77 = tpu.memref_slice %arg3[%add3A, %dma_start3A_75, %dma_start3A_76] : memref<32x80x128xi32, #tpu.memory_space<hbm>> -> memref<1x40x128xi32, #tpu.memory_space<hbm>>
      %dma_start3A_78 = tpu.memref_squeeze %dma_start3A_77 : memref<1x40x128xi32, #tpu.memory_space<hbm>> -> memref<40x128xi32, #tpu.memory_space<hbm>>
      tpu.enqueue_dma source(%dma_start3A_78 : memref<40x128xi32, #tpu.memory_space<hbm>>) target(%arg7 : memref<40x128xi32, #tpu.memory_space<vmem>>) target_semaphore(%run_scoped3A_70 : memref<!tpu.dma_semaphore, #tpu.memory_space<semaphore_mem>>)
      %dma_wait3A_79 = arith.constant 40 : i32
      %dma_wait3A_80 = arith.constant 0 : i32
      %dma_wait3A_81 = tpu.memref_slice %arg3[%add3A, %dma_wait3A_79, %dma_wait3A_80] : memref<32x80x128xi32, #tpu.memory_space<hbm>> -> memref<1x40x128xi32, #tpu.memory_space<hbm>>
      %dma_wait3A_82 = tpu.memref_squeeze %dma_wait3A_81 : memref<1x40x128xi32, #tpu.memory_space<hbm>> -> memref<40x128xi32, #tpu.memory_space<hbm>>
      %dma_wait3A_83 = arith.constant 40 : i32
      %dma_wait3A_84 = arith.constant 0 : i32
      %dma_wait3A_85 = tpu.memref_slice %arg3[%add3A, %dma_wait3A_83, %dma_wait3A_84] : memref<32x80x128xi32, #tpu.memory_space<hbm>> -> memref<1x40x128xi32, #tpu.memory_space<hbm>>
      %dma_wait3A_86 = tpu.memref_squeeze %dma_wait3A_85 : memref<1x40x128xi32, #tpu.memory_space<hbm>> -> memref<40x128xi32, #tpu.memory_space<hbm>>
      tpu.wait_dma2 semaphore(%run_scoped3A_70 : memref<!tpu.dma_semaphore, #tpu.memory_space<semaphore_mem>>) src(%dma_wait3A_86 : memref<40x128xi32, #tpu.memory_space<hbm>>) dst(%arg7 : memref<40x128xi32, #tpu.memory_space<vmem>>)
      tpu.yield
    }) : () -> ()
    "tpu.region"() ({
      %run_scoped3A_70 = tpu.sem_alloc : memref<!tpu.dma_semaphore, #tpu.memory_space<semaphore_mem>>
      %dma_start3A_71 = arith.constant 40 : i32
      %dma_start3A_72 = arith.constant 0 : i32
      %dma_start3A_73 = tpu.memref_slice %arg4[%add3A, %dma_start3A_71, %dma_start3A_72] : memref<32x80x128xi32, #tpu.memory_space<hbm>> -> memref<1x40x128xi32, #tpu.memory_space<hbm>>
      %dma_start3A_74 = tpu.memref_squeeze %dma_start3A_73 : memref<1x40x128xi32, #tpu.memory_space<hbm>> -> memref<40x128xi32, #tpu.memory_space<hbm>>
      %dma_start3A_75 = arith.constant 40 : i32
      %dma_start3A_76 = arith.constant 0 : i32
      %dma_start3A_77 = tpu.memref_slice %arg4[%add3A, %dma_start3A_75, %dma_start3A_76] : memref<32x80x128xi32, #tpu.memory_space<hbm>> -> memref<1x40x128xi32, #tpu.memory_space<hbm>>
      %dma_start3A_78 = tpu.memref_squeeze %dma_start3A_77 : memref<1x40x128xi32, #tpu.memory_space<hbm>> -> memref<40x128xi32, #tpu.memory_space<hbm>>
      tpu.enqueue_dma source(%dma_start3A_78 : memref<40x128xi32, #tpu.memory_space<hbm>>) target(%arg8 : memref<40x128xi32, #tpu.memory_space<vmem>>) target_semaphore(%run_scoped3A_70 : memref<!tpu.dma_semaphore, #tpu.memory_space<semaphore_mem>>)
      %dma_wait3A_79 = arith.constant 40 : i32
      %dma_wait3A_80 = arith.constant 0 : i32
      %dma_wait3A_81 = tpu.memref_slice %arg4[%add3A, %dma_wait3A_79, %dma_wait3A_80] : memref<32x80x128xi32, #tpu.memory_space<hbm>> -> memref<1x40x128xi32, #tpu.memory_space<hbm>>
      %dma_wait3A_82 = tpu.memref_squeeze %dma_wait3A_81 : memref<1x40x128xi32, #tpu.memory_space<hbm>> -> memref<40x128xi32, #tpu.memory_space<hbm>>
      %dma_wait3A_83 = arith.constant 40 : i32
      %dma_wait3A_84 = arith.constant 0 : i32
      %dma_wait3A_85 = tpu.memref_slice %arg4[%add3A, %dma_wait3A_83, %dma_wait3A_84] : memref<32x80x128xi32, #tpu.memory_space<hbm>> -> memref<1x40x128xi32, #tpu.memory_space<hbm>>
      %dma_wait3A_86 = tpu.memref_squeeze %dma_wait3A_85 : memref<1x40x128xi32, #tpu.memory_space<hbm>> -> memref<40x128xi32, #tpu.memory_space<hbm>>
      tpu.wait_dma2 semaphore(%run_scoped3A_70 : memref<!tpu.dma_semaphore, #tpu.memory_space<semaphore_mem>>) src(%dma_wait3A_86 : memref<40x128xi32, #tpu.memory_space<hbm>>) dst(%arg8 : memref<40x128xi32, #tpu.memory_space<vmem>>)
      tpu.yield
    }) : () -> ()
    %dma_start3A_32 = arith.constant 0 : i32
    %dma_start3A_33 = arith.constant 0 : i32
    %dma_start3A_34 = tpu.memref_slice %arg7[%dma_start3A_32, %dma_start3A_33] : memref<40x128xi32, #tpu.memory_space<vmem>> -> memref<1x128xi32, #tpu.memory_space<vmem>>
    %dma_start3A_35 = tpu.memref_squeeze %dma_start3A_34 : memref<1x128xi32, #tpu.memory_space<vmem>> -> memref<128xi32, #tpu.memory_space<vmem>>
    %dma_start3A_36 = arith.constant 0 : i32
    %dma_start3A_37 = arith.constant 0 : i32
    %dma_start3A_38 = tpu.memref_slice %arg2[%dma_start3A_36, %dma_start3A_37] : memref<10240x128xf32, #tpu.memory_space<hbm>> -> memref<10240x128xf32, #tpu.memory_space<hbm>>
    tpu.enqueue_indirect_dma source(%dma_start3A_38 : memref<10240x128xf32, #tpu.memory_space<hbm>>) target(%arg9 : memref<128x128xf32, #tpu.memory_space<vmem>>) offsets(%dma_start3A_35 : memref<128xi32, #tpu.memory_space<vmem>>) semaphore(%arg12 : memref<!tpu.dma_semaphore, #tpu.memory_space<semaphore_mem>>)
    %dma_start3A_39 = arith.constant 1 : i32
    %dma_start3A_40 = arith.constant 0 : i32
    %dma_start3A_41 = tpu.memref_slice %arg7[%dma_start3A_39, %dma_start3A_40] : memref<40x128xi32, #tpu.memory_space<vmem>> -> memref<1x128xi32, #tpu.memory_space<vmem>>
    %dma_start3A_42 = tpu.memref_squeeze %dma_start3A_41 : memref<1x128xi32, #tpu.memory_space<vmem>> -> memref<128xi32, #tpu.memory_space<vmem>>
    %dma_start3A_43 = arith.constant 0 : i32
    %dma_start3A_44 = arith.constant 0 : i32
    %dma_start3A_45 = tpu.memref_slice %arg2[%dma_start3A_43, %dma_start3A_44] : memref<10240x128xf32, #tpu.memory_space<hbm>> -> memref<10240x128xf32, #tpu.memory_space<hbm>>
    tpu.enqueue_indirect_dma source(%dma_start3A_45 : memref<10240x128xf32, #tpu.memory_space<hbm>>) target(%arg10 : memref<128x128xf32, #tpu.memory_space<vmem>>) offsets(%dma_start3A_42 : memref<128xi32, #tpu.memory_space<vmem>>) semaphore(%arg13 : memref<!tpu.dma_semaphore, #tpu.memory_space<semaphore_mem>>)
    %scan3A_46 = arith.constant 0 : i32
    %scan3A_47 = arith.constant 19 : i32
    %scan3A_48 = arith.addi %scan3A_46, %scan3A_47 : i32
    %scan3A_49 = arith.constant 1 : i32
    scf.for %scan3A_70 = %scan3A_46 to %scan3A_48 step %scan3A_49  : i32 {
      %mul3A_71 = arith.constant 2 : i32
      %mul3A_72 = arith.muli %scan3A_70, %mul3A_71 : i32
      %add3A_73 = arith.constant 0 : i32
      %add3A_74 = arith.addi %add3A_73, %mul3A_72 : i32
      %dma_wait3A_75 = arith.constant 0 : i32
      %dma_wait3A_76 = arith.constant 0 : i32
      %dma_wait3A_77 = tpu.memref_slice %arg2[%dma_wait3A_75, %dma_wait3A_76] : memref<10240x128xf32, #tpu.memory_space<hbm>> -> memref<128x128xf32, #tpu.memory_space<hbm>>
      %dma_wait3A_78 = arith.constant 0 : i32
      %dma_wait3A_79 = arith.constant 0 : i32
      %dma_wait3A_80 = tpu.memref_slice %arg2[%dma_wait3A_78, %dma_wait3A_79] : memref<10240x128xf32, #tpu.memory_space<hbm>> -> memref<128x128xf32, #tpu.memory_space<hbm>>
      tpu.wait_dma2 semaphore(%arg12 : memref<!tpu.dma_semaphore, #tpu.memory_space<semaphore_mem>>) src(%dma_wait3A_80 : memref<128x128xf32, #tpu.memory_space<hbm>>) dst(%arg9 : memref<128x128xf32, #tpu.memory_space<vmem>>)
      "tpu.region"() ({
        %run_scoped3A_105 = tpu.sem_alloc : memref<!tpu.dma_semaphore, #tpu.memory_space<semaphore_mem>>
        %dma_start3A_106 = arith.constant 0 : i32
        %dma_start3A_107 = tpu.memref_slice %arg8[%add3A_74, %dma_start3A_106] : memref<40x128xi32, #tpu.memory_space<vmem>> -> memref<1x128xi32, #tpu.memory_space<vmem>>
        %dma_start3A_108 = tpu.memref_squeeze %dma_start3A_107 : memref<1x128xi32, #tpu.memory_space<vmem>> -> memref<128xi32, #tpu.memory_space<vmem>>
        %dma_start3A_109 = arith.constant 0 : i32
        %dma_start3A_110 = arith.constant 0 : i32
        %dma_start3A_111 = tpu.memref_slice %arg11[%dma_start3A_109, %dma_start3A_110] : memref<10240x128xf32, #tpu.memory_space<vmem_shared>> -> memref<10240x128xf32, #tpu.memory_space<vmem_shared>>
        tpu.enqueue_indirect_dma source(%arg9 : memref<128x128xf32, #tpu.memory_space<vmem>>) target(%dma_start3A_111 : memref<10240x128xf32, #tpu.memory_space<vmem_shared>>) offsets(%dma_start3A_108 : memref<128xi32, #tpu.memory_space<vmem>>) semaphore(%run_scoped3A_105 : memref<!tpu.dma_semaphore, #tpu.memory_space<semaphore_mem>>) {add = true}
        %dma_wait3A_112 = arith.constant 0 : i32
        %dma_wait3A_113 = tpu.memref_slice %arg8[%add3A_74, %dma_wait3A_112] : memref<40x128xi32, #tpu.memory_space<vmem>> -> memref<1x128xi32, #tpu.memory_space<vmem>>
        %dma_wait3A_114 = tpu.memref_squeeze %dma_wait3A_113 : memref<1x128xi32, #tpu.memory_space<vmem>> -> memref<128xi32, #tpu.memory_space<vmem>>
        %dma_wait3A_115 = arith.constant 0 : i32
        %dma_wait3A_116 = arith.constant 0 : i32
        %dma_wait3A_117 = tpu.memref_slice %arg11[%dma_wait3A_115, %dma_wait3A_116] : memref<10240x128xf32, #tpu.memory_space<vmem_shared>> -> memref<10240x128xf32, #tpu.memory_space<vmem_shared>>
        tpu.wait_indirect_dma semaphore(%run_scoped3A_105 : memref<!tpu.dma_semaphore, #tpu.memory_space<semaphore_mem>>) src(%arg9 : memref<128x128xf32, #tpu.memory_space<vmem>>) dst(%dma_wait3A_117 : memref<10240x128xf32, #tpu.memory_space<vmem_shared>>)
        tpu.yield
      }) : () -> ()
      %add3A_81 = arith.constant 2 : i32
      %add3A_82 = arith.addi %add3A_74, %add3A_81 : i32
      %dma_start3A_83 = arith.constant 0 : i32
      %dma_start3A_84 = tpu.memref_slice %arg7[%add3A_82, %dma_start3A_83] : memref<40x128xi32, #tpu.memory_space<vmem>> -> memref<1x128xi32, #tpu.memory_space<vmem>>
      %dma_start3A_85 = tpu.memref_squeeze %dma_start3A_84 : memref<1x128xi32, #tpu.memory_space<vmem>> -> memref<128xi32, #tpu.memory_space<vmem>>
      %dma_start3A_86 = arith.constant 0 : i32
      %dma_start3A_87 = arith.constant 0 : i32
      %dma_start3A_88 = tpu.memref_slice %arg2[%dma_start3A_86, %dma_start3A_87] : memref<10240x128xf32, #tpu.memory_space<hbm>> -> memref<10240x128xf32, #tpu.memory_space<hbm>>
      tpu.enqueue_indirect_dma source(%dma_start3A_88 : memref<10240x128xf32, #tpu.memory_space<hbm>>) target(%arg9 : memref<128x128xf32, #tpu.memory_space<vmem>>) offsets(%dma_start3A_85 : memref<128xi32, #tpu.memory_space<vmem>>) semaphore(%arg12 : memref<!tpu.dma_semaphore, #tpu.memory_space<semaphore_mem>>)
      %dma_wait3A_89 = arith.constant 0 : i32
      %dma_wait3A_90 = arith.constant 0 : i32
      %dma_wait3A_91 = tpu.memref_slice %arg2[%dma_wait3A_89, %dma_wait3A_90] : memref<10240x128xf32, #tpu.memory_space<hbm>> -> memref<128x128xf32, #tpu.memory_space<hbm>>
      %dma_wait3A_92 = arith.constant 0 : i32
      %dma_wait3A_93 = arith.constant 0 : i32
      %dma_wait3A_94 = tpu.memref_slice %arg2[%dma_wait3A_92, %dma_wait3A_93] : memref<10240x128xf32, #tpu.memory_space<hbm>> -> memref<128x128xf32, #tpu.memory_space<hbm>>
      tpu.wait_dma2 semaphore(%arg13 : memref<!tpu.dma_semaphore, #tpu.memory_space<semaphore_mem>>) src(%dma_wait3A_94 : memref<128x128xf32, #tpu.memory_space<hbm>>) dst(%arg10 : memref<128x128xf32, #tpu.memory_space<vmem>>)
      %add3A_95 = arith.constant 1 : i32
      %add3A_96 = arith.addi %add3A_74, %add3A_95 : i32
      "tpu.region"() ({
        %run_scoped3A_105 = tpu.sem_alloc : memref<!tpu.dma_semaphore, #tpu.memory_space<semaphore_mem>>
        %dma_start3A_106 = arith.constant 0 : i32
        %dma_start3A_107 = tpu.memref_slice %arg8[%add3A_96, %dma_start3A_106] : memref<40x128xi32, #tpu.memory_space<vmem>> -> memref<1x128xi32, #tpu.memory_space<vmem>>
        %dma_start3A_108 = tpu.memref_squeeze %dma_start3A_107 : memref<1x128xi32, #tpu.memory_space<vmem>> -> memref<128xi32, #tpu.memory_space<vmem>>
        %dma_start3A_109 = arith.constant 0 : i32
        %dma_start3A_110 = arith.constant 0 : i32
        %dma_start3A_111 = tpu.memref_slice %arg11[%dma_start3A_109, %dma_start3A_110] : memref<10240x128xf32, #tpu.memory_space<vmem_shared>> -> memref<10240x128xf32, #tpu.memory_space<vmem_shared>>
        tpu.enqueue_indirect_dma source(%arg10 : memref<128x128xf32, #tpu.memory_space<vmem>>) target(%dma_start3A_111 : memref<10240x128xf32, #tpu.memory_space<vmem_shared>>) offsets(%dma_start3A_108 : memref<128xi32, #tpu.memory_space<vmem>>) semaphore(%run_scoped3A_105 : memref<!tpu.dma_semaphore, #tpu.memory_space<semaphore_mem>>) {add = true}
        %dma_wait3A_112 = arith.constant 0 : i32
        %dma_wait3A_113 = tpu.memref_slice %arg8[%add3A_96, %dma_wait3A_112] : memref<40x128xi32, #tpu.memory_space<vmem>> -> memref<1x128xi32, #tpu.memory_space<vmem>>
        %dma_wait3A_114 = tpu.memref_squeeze %dma_wait3A_113 : memref<1x128xi32, #tpu.memory_space<vmem>> -> memref<128xi32, #tpu.memory_space<vmem>>
        %dma_wait3A_115 = arith.constant 0 : i32
        %dma_wait3A_116 = arith.constant 0 : i32
        %dma_wait3A_117 = tpu.memref_slice %arg11[%dma_wait3A_115, %dma_wait3A_116] : memref<10240x128xf32, #tpu.memory_space<vmem_shared>> -> memref<10240x128xf32, #tpu.memory_space<vmem_shared>>
        tpu.wait_indirect_dma semaphore(%run_scoped3A_105 : memref<!tpu.dma_semaphore, #tpu.memory_space<semaphore_mem>>) src(%arg10 : memref<128x128xf32, #tpu.memory_space<vmem>>) dst(%dma_wait3A_117 : memref<10240x128xf32, #tpu.memory_space<vmem_shared>>)
        tpu.yield
      }) : () -> ()
      %add3A_97 = arith.constant 3 : i32
      %add3A_98 = arith.addi %add3A_74, %add3A_97 : i32
      %dma_start3A_99 = arith.constant 0 : i32
      %dma_start3A_100 = tpu.memref_slice %arg7[%add3A_98, %dma_start3A_99] : memref<40x128xi32, #tpu.memory_space<vmem>> -> memref<1x128xi32, #tpu.memory_space<vmem>>
      %dma_start3A_101 = tpu.memref_squeeze %dma_start3A_100 : memref<1x128xi32, #tpu.memory_space<vmem>> -> memref<128xi32, #tpu.memory_space<vmem>>
      %dma_start3A_102 = arith.constant 0 : i32
      %dma_start3A_103 = arith.constant 0 : i32
      %dma_start3A_104 = tpu.memref_slice %arg2[%dma_start3A_102, %dma_start3A_103] : memref<10240x128xf32, #tpu.memory_space<hbm>> -> memref<10240x128xf32, #tpu.memory_space<hbm>>
      tpu.enqueue_indirect_dma source(%dma_start3A_104 : memref<10240x128xf32, #tpu.memory_space<hbm>>) target(%arg10 : memref<128x128xf32, #tpu.memory_space<vmem>>) offsets(%dma_start3A_101 : memref<128xi32, #tpu.memory_space<vmem>>) semaphore(%arg13 : memref<!tpu.dma_semaphore, #tpu.memory_space<semaphore_mem>>)
    }
    %scan3A_50 = arith.constant 19 : i32
    %dma_wait3A_51 = arith.constant 0 : i32
    %dma_wait3A_52 = arith.constant 0 : i32
    %dma_wait3A_53 = tpu.memref_slice %arg2[%dma_wait3A_51, %dma_wait3A_52] : memref<10240x128xf32, #tpu.memory_space<hbm>> -> memref<128x128xf32, #tpu.memory_space<hbm>>
    %dma_wait3A_54 = arith.constant 0 : i32
    %dma_wait3A_55 = arith.constant 0 : i32
    %dma_wait3A_56 = tpu.memref_slice %arg2[%dma_wait3A_54, %dma_wait3A_55] : memref<10240x128xf32, #tpu.memory_space<hbm>> -> memref<128x128xf32, #tpu.memory_space<hbm>>
    tpu.wait_dma2 semaphore(%arg12 : memref<!tpu.dma_semaphore, #tpu.memory_space<semaphore_mem>>) src(%dma_wait3A_56 : memref<128x128xf32, #tpu.memory_space<hbm>>) dst(%arg9 : memref<128x128xf32, #tpu.memory_space<vmem>>)
    %run_scoped3A_57 = arith.constant 38 : i32
    "tpu.region"() ({
      %run_scoped3A_70 = tpu.sem_alloc : memref<!tpu.dma_semaphore, #tpu.memory_space<semaphore_mem>>
      %dma_start3A_71 = arith.constant 0 : i32
      %dma_start3A_72 = tpu.memref_slice %arg8[%run_scoped3A_57, %dma_start3A_71] : memref<40x128xi32, #tpu.memory_space<vmem>> -> memref<1x128xi32, #tpu.memory_space<vmem>>
      %dma_start3A_73 = tpu.memref_squeeze %dma_start3A_72 : memref<1x128xi32, #tpu.memory_space<vmem>> -> memref<128xi32, #tpu.memory_space<vmem>>
      %dma_start3A_74 = arith.constant 0 : i32
      %dma_start3A_75 = arith.constant 0 : i32
      %dma_start3A_76 = tpu.memref_slice %arg11[%dma_start3A_74, %dma_start3A_75] : memref<10240x128xf32, #tpu.memory_space<vmem_shared>> -> memref<10240x128xf32, #tpu.memory_space<vmem_shared>>
      tpu.enqueue_indirect_dma source(%arg9 : memref<128x128xf32, #tpu.memory_space<vmem>>) target(%dma_start3A_76 : memref<10240x128xf32, #tpu.memory_space<vmem_shared>>) offsets(%dma_start3A_73 : memref<128xi32, #tpu.memory_space<vmem>>) semaphore(%run_scoped3A_70 : memref<!tpu.dma_semaphore, #tpu.memory_space<semaphore_mem>>) {add = true}
      %dma_wait3A_77 = arith.constant 0 : i32
      %dma_wait3A_78 = tpu.memref_slice %arg8[%run_scoped3A_57, %dma_wait3A_77] : memref<40x128xi32, #tpu.memory_space<vmem>> -> memref<1x128xi32, #tpu.memory_space<vmem>>
      %dma_wait3A_79 = tpu.memref_squeeze %dma_wait3A_78 : memref<1x128xi32, #tpu.memory_space<vmem>> -> memref<128xi32, #tpu.memory_space<vmem>>
      %dma_wait3A_80 = arith.constant 0 : i32
      %dma_wait3A_81 = arith.constant 0 : i32
      %dma_wait3A_82 = tpu.memref_slice %arg11[%dma_wait3A_80, %dma_wait3A_81] : memref<10240x128xf32, #tpu.memory_space<vmem_shared>> -> memref<10240x128xf32, #tpu.memory_space<vmem_shared>>
      tpu.wait_indirect_dma semaphore(%run_scoped3A_70 : memref<!tpu.dma_semaphore, #tpu.memory_space<semaphore_mem>>) src(%arg9 : memref<128x128xf32, #tpu.memory_space<vmem>>) dst(%dma_wait3A_82 : memref<10240x128xf32, #tpu.memory_space<vmem_shared>>)
      tpu.yield
    }) : () -> ()
    %dma_wait3A_58 = arith.constant 0 : i32
    %dma_wait3A_59 = arith.constant 0 : i32
    %dma_wait3A_60 = tpu.memref_slice %arg2[%dma_wait3A_58, %dma_wait3A_59] : memref<10240x128xf32, #tpu.memory_space<hbm>> -> memref<128x128xf32, #tpu.memory_space<hbm>>
    %dma_wait3A_61 = arith.constant 0 : i32
    %dma_wait3A_62 = arith.constant 0 : i32
    %dma_wait3A_63 = tpu.memref_slice %arg2[%dma_wait3A_61, %dma_wait3A_62] : memref<10240x128xf32, #tpu.memory_space<hbm>> -> memref<128x128xf32, #tpu.memory_space<hbm>>
    tpu.wait_dma2 semaphore(%arg13 : memref<!tpu.dma_semaphore, #tpu.memory_space<semaphore_mem>>) src(%dma_wait3A_63 : memref<128x128xf32, #tpu.memory_space<hbm>>) dst(%arg10 : memref<128x128xf32, #tpu.memory_space<vmem>>)
    %run_scoped3A_64 = arith.constant 39 : i32
    "tpu.region"() ({
      %run_scoped3A_70 = tpu.sem_alloc : memref<!tpu.dma_semaphore, #tpu.memory_space<semaphore_mem>>
      %dma_start3A_71 = arith.constant 0 : i32
      %dma_start3A_72 = tpu.memref_slice %arg8[%run_scoped3A_64, %dma_start3A_71] : memref<40x128xi32, #tpu.memory_space<vmem>> -> memref<1x128xi32, #tpu.memory_space<vmem>>
      %dma_start3A_73 = tpu.memref_squeeze %dma_start3A_72 : memref<1x128xi32, #tpu.memory_space<vmem>> -> memref<128xi32, #tpu.memory_space<vmem>>
      %dma_start3A_74 = arith.constant 0 : i32
      %dma_start3A_75 = arith.constant 0 : i32
      %dma_start3A_76 = tpu.memref_slice %arg11[%dma_start3A_74, %dma_start3A_75] : memref<10240x128xf32, #tpu.memory_space<vmem_shared>> -> memref<10240x128xf32, #tpu.memory_space<vmem_shared>>
      tpu.enqueue_indirect_dma source(%arg10 : memref<128x128xf32, #tpu.memory_space<vmem>>) target(%dma_start3A_76 : memref<10240x128xf32, #tpu.memory_space<vmem_shared>>) offsets(%dma_start3A_73 : memref<128xi32, #tpu.memory_space<vmem>>) semaphore(%run_scoped3A_70 : memref<!tpu.dma_semaphore, #tpu.memory_space<semaphore_mem>>) {add = true}
      %dma_wait3A_77 = arith.constant 0 : i32
      %dma_wait3A_78 = tpu.memref_slice %arg8[%run_scoped3A_64, %dma_wait3A_77] : memref<40x128xi32, #tpu.memory_space<vmem>> -> memref<1x128xi32, #tpu.memory_space<vmem>>
      %dma_wait3A_79 = tpu.memref_squeeze %dma_wait3A_78 : memref<1x128xi32, #tpu.memory_space<vmem>> -> memref<128xi32, #tpu.memory_space<vmem>>
      %dma_wait3A_80 = arith.constant 0 : i32
      %dma_wait3A_81 = arith.constant 0 : i32
      %dma_wait3A_82 = tpu.memref_slice %arg11[%dma_wait3A_80, %dma_wait3A_81] : memref<10240x128xf32, #tpu.memory_space<vmem_shared>> -> memref<10240x128xf32, #tpu.memory_space<vmem_shared>>
      tpu.wait_indirect_dma semaphore(%run_scoped3A_70 : memref<!tpu.dma_semaphore, #tpu.memory_space<semaphore_mem>>) src(%arg10 : memref<128x128xf32, #tpu.memory_space<vmem>>) dst(%dma_wait3A_82 : memref<10240x128xf32, #tpu.memory_space<vmem_shared>>)
      tpu.yield
    }) : () -> ()
    %barrier3A_65 = arith.constant 0 : index
    tpu.barrier barrier_id(%barrier3A_65)
    %mul3A_66 = arith.constant 640 : i32
    %mul3A_67 = arith.muli %arg1, %mul3A_66 : i32
    %mul3A_68 = arith.constant 640 : i32
    %mul3A_69 = arith.muli %arg1, %mul3A_68 : i32
    "tpu.region"() ({
      %run_scoped3A_70 = tpu.sem_alloc : memref<!tpu.dma_semaphore, #tpu.memory_space<semaphore_mem>>
      %dma_start3A_71 = arith.constant 0 : i32
      %dma_start3A_72 = tpu.memref_slice %arg6[%arg0, %mul3A_69, %dma_start3A_71] : memref<2x10240x128xf32, #tpu.memory_space<hbm>> -> memref<1x640x128xf32, #tpu.memory_space<hbm>>
      %dma_start3A_73 = tpu.memref_squeeze %dma_start3A_72 : memref<1x640x128xf32, #tpu.memory_space<hbm>> -> memref<640x128xf32, #tpu.memory_space<hbm>>
      %dma_start3A_74 = arith.constant 0 : i32
      %dma_start3A_75 = tpu.memref_slice %arg11[%mul3A_67, %dma_start3A_74] : memref<10240x128xf32, #tpu.memory_space<vmem_shared>> -> memref<640x128xf32, #tpu.memory_space<vmem_shared>>
      tpu.enqueue_dma source(%dma_start3A_75 : memref<640x128xf32, #tpu.memory_space<vmem_shared>>) target(%dma_start3A_73 : memref<640x128xf32, #tpu.memory_space<hbm>>) target_semaphore(%run_scoped3A_70 : memref<!tpu.dma_semaphore, #tpu.memory_space<semaphore_mem>>)
      %dma_wait3A_76 = arith.constant 0 : i32
      %dma_wait3A_77 = tpu.memref_slice %arg6[%arg0, %mul3A_69, %dma_wait3A_76] : memref<2x10240x128xf32, #tpu.memory_space<hbm>> -> memref<1x640x128xf32, #tpu.memory_space<hbm>>
      %dma_wait3A_78 = tpu.memref_squeeze %dma_wait3A_77 : memref<1x640x128xf32, #tpu.memory_space<hbm>> -> memref<640x128xf32, #tpu.memory_space<hbm>>
      %dma_wait3A_79 = arith.constant 0 : i32
      %dma_wait3A_80 = tpu.memref_slice %arg11[%mul3A_67, %dma_wait3A_79] : memref<10240x128xf32, #tpu.memory_space<vmem_shared>> -> memref<640x128xf32, #tpu.memory_space<vmem_shared>>
      tpu.wait_dma2 semaphore(%run_scoped3A_70 : memref<!tpu.dma_semaphore, #tpu.memory_space<semaphore_mem>>) src(%dma_wait3A_80 : memref<640x128xf32, #tpu.memory_space<vmem_shared>>) dst(%dma_wait3A_78 : memref<640x128xf32, #tpu.memory_space<hbm>>)
      tpu.yield
    }) : () -> ()
    return
  }
}

#map = affine_map<(d0, d1) -> (0, 0)>
#map1 = affine_map<(d0, d1) -> (0, 0, 0)>
module attributes {stable_mosaic.version = 14 : i64} {
  func.func @_sagg(%arg0: i32, %arg1: i32, %arg2: memref<80x128xf32, #tpu.memory_space<hbm>>, %arg3: memref<32x80x128xi32, #tpu.memory_space<hbm>>, %arg4: memref<32x80x128xi32, #tpu.memory_space<hbm>>, %arg5: memref<80x128xf32, #tpu.memory_space<hbm>>, %arg6: memref<32x80x128xf32, #tpu.memory_space<hbm>>, %arg7: memref<80x128xi32, #tpu.memory_space<vmem>>, %arg8: memref<80x128xi32, #tpu.memory_space<vmem>>, %arg9: memref<80x128xf32, #tpu.memory_space<vmem>>, %arg10: memref<80x128xf32, #tpu.memory_space<vmem>>) attributes {dimension_semantics = [#tpu.dimension_semantics<core_parallel>, #tpu.dimension_semantics<subcore_parallel>], iteration_bounds = array<i64: 2, 16>, scalar_prefetch = 0 : i64, scratch_operands = 4 : i64, tpu.core_type = #tpu.core_type<sc_vector_subcore>, window_params = [{transform_indices = #map}, {transform_indices = #map1}, {transform_indices = #map1}, {transform_indices = #map}, {transform_indices = #map1}]} {
    %mul3A = arith.constant 16 : i32
    %mul3A_0 = arith.muli %arg0, %mul3A : i32
    %add3A = arith.addi %mul3A_0, %arg1 : i32
    "tpu.region"() ({
      %run_scoped3A = tpu.sem_alloc : memref<!tpu.dma_semaphore, #tpu.memory_space<semaphore_mem>>
      tpu.enqueue_dma source(%arg5 : memref<80x128xf32, #tpu.memory_space<hbm>>) target(%arg10 : memref<80x128xf32, #tpu.memory_space<vmem>>) target_semaphore(%run_scoped3A : memref<!tpu.dma_semaphore, #tpu.memory_space<semaphore_mem>>)
      tpu.wait_dma2 semaphore(%run_scoped3A : memref<!tpu.dma_semaphore, #tpu.memory_space<semaphore_mem>>) src(%arg5 : memref<80x128xf32, #tpu.memory_space<hbm>>) dst(%arg10 : memref<80x128xf32, #tpu.memory_space<vmem>>)
      tpu.yield
    }) : () -> ()
    "tpu.region"() ({
      %run_scoped3A = tpu.sem_alloc : memref<!tpu.dma_semaphore, #tpu.memory_space<semaphore_mem>>
      tpu.enqueue_dma source(%arg2 : memref<80x128xf32, #tpu.memory_space<hbm>>) target(%arg9 : memref<80x128xf32, #tpu.memory_space<vmem>>) target_semaphore(%run_scoped3A : memref<!tpu.dma_semaphore, #tpu.memory_space<semaphore_mem>>)
      tpu.wait_dma2 semaphore(%run_scoped3A : memref<!tpu.dma_semaphore, #tpu.memory_space<semaphore_mem>>) src(%arg2 : memref<80x128xf32, #tpu.memory_space<hbm>>) dst(%arg9 : memref<80x128xf32, #tpu.memory_space<vmem>>)
      tpu.yield
    }) : () -> ()
    "tpu.region"() ({
      %run_scoped3A = tpu.sem_alloc : memref<!tpu.dma_semaphore, #tpu.memory_space<semaphore_mem>>
      %dma_start3A = arith.constant 0 : i32
      %dma_start3A_5 = arith.constant 0 : i32
      %dma_start3A_6 = tpu.memref_slice %arg3[%add3A, %dma_start3A, %dma_start3A_5] : memref<32x80x128xi32, #tpu.memory_space<hbm>> -> memref<1x80x128xi32, #tpu.memory_space<hbm>>
      %dma_start3A_7 = tpu.memref_squeeze %dma_start3A_6 : memref<1x80x128xi32, #tpu.memory_space<hbm>> -> memref<80x128xi32, #tpu.memory_space<hbm>>
      %dma_start3A_8 = arith.constant 0 : i32
      %dma_start3A_9 = arith.constant 0 : i32
      %dma_start3A_10 = tpu.memref_slice %arg3[%add3A, %dma_start3A_8, %dma_start3A_9] : memref<32x80x128xi32, #tpu.memory_space<hbm>> -> memref<1x80x128xi32, #tpu.memory_space<hbm>>
      %dma_start3A_11 = tpu.memref_squeeze %dma_start3A_10 : memref<1x80x128xi32, #tpu.memory_space<hbm>> -> memref<80x128xi32, #tpu.memory_space<hbm>>
      tpu.enqueue_dma source(%dma_start3A_11 : memref<80x128xi32, #tpu.memory_space<hbm>>) target(%arg7 : memref<80x128xi32, #tpu.memory_space<vmem>>) target_semaphore(%run_scoped3A : memref<!tpu.dma_semaphore, #tpu.memory_space<semaphore_mem>>)
      %dma_wait3A = arith.constant 0 : i32
      %dma_wait3A_12 = arith.constant 0 : i32
      %dma_wait3A_13 = tpu.memref_slice %arg3[%add3A, %dma_wait3A, %dma_wait3A_12] : memref<32x80x128xi32, #tpu.memory_space<hbm>> -> memref<1x80x128xi32, #tpu.memory_space<hbm>>
      %dma_wait3A_14 = tpu.memref_squeeze %dma_wait3A_13 : memref<1x80x128xi32, #tpu.memory_space<hbm>> -> memref<80x128xi32, #tpu.memory_space<hbm>>
      %dma_wait3A_15 = arith.constant 0 : i32
      %dma_wait3A_16 = arith.constant 0 : i32
      %dma_wait3A_17 = tpu.memref_slice %arg3[%add3A, %dma_wait3A_15, %dma_wait3A_16] : memref<32x80x128xi32, #tpu.memory_space<hbm>> -> memref<1x80x128xi32, #tpu.memory_space<hbm>>
      %dma_wait3A_18 = tpu.memref_squeeze %dma_wait3A_17 : memref<1x80x128xi32, #tpu.memory_space<hbm>> -> memref<80x128xi32, #tpu.memory_space<hbm>>
      tpu.wait_dma2 semaphore(%run_scoped3A : memref<!tpu.dma_semaphore, #tpu.memory_space<semaphore_mem>>) src(%dma_wait3A_18 : memref<80x128xi32, #tpu.memory_space<hbm>>) dst(%arg7 : memref<80x128xi32, #tpu.memory_space<vmem>>)
      tpu.yield
    }) : () -> ()
    "tpu.region"() ({
      %run_scoped3A = tpu.sem_alloc : memref<!tpu.dma_semaphore, #tpu.memory_space<semaphore_mem>>
      %dma_start3A = arith.constant 0 : i32
      %dma_start3A_5 = arith.constant 0 : i32
      %dma_start3A_6 = tpu.memref_slice %arg4[%add3A, %dma_start3A, %dma_start3A_5] : memref<32x80x128xi32, #tpu.memory_space<hbm>> -> memref<1x80x128xi32, #tpu.memory_space<hbm>>
      %dma_start3A_7 = tpu.memref_squeeze %dma_start3A_6 : memref<1x80x128xi32, #tpu.memory_space<hbm>> -> memref<80x128xi32, #tpu.memory_space<hbm>>
      %dma_start3A_8 = arith.constant 0 : i32
      %dma_start3A_9 = arith.constant 0 : i32
      %dma_start3A_10 = tpu.memref_slice %arg4[%add3A, %dma_start3A_8, %dma_start3A_9] : memref<32x80x128xi32, #tpu.memory_space<hbm>> -> memref<1x80x128xi32, #tpu.memory_space<hbm>>
      %dma_start3A_11 = tpu.memref_squeeze %dma_start3A_10 : memref<1x80x128xi32, #tpu.memory_space<hbm>> -> memref<80x128xi32, #tpu.memory_space<hbm>>
      tpu.enqueue_dma source(%dma_start3A_11 : memref<80x128xi32, #tpu.memory_space<hbm>>) target(%arg8 : memref<80x128xi32, #tpu.memory_space<vmem>>) target_semaphore(%run_scoped3A : memref<!tpu.dma_semaphore, #tpu.memory_space<semaphore_mem>>)
      %dma_wait3A = arith.constant 0 : i32
      %dma_wait3A_12 = arith.constant 0 : i32
      %dma_wait3A_13 = tpu.memref_slice %arg4[%add3A, %dma_wait3A, %dma_wait3A_12] : memref<32x80x128xi32, #tpu.memory_space<hbm>> -> memref<1x80x128xi32, #tpu.memory_space<hbm>>
      %dma_wait3A_14 = tpu.memref_squeeze %dma_wait3A_13 : memref<1x80x128xi32, #tpu.memory_space<hbm>> -> memref<80x128xi32, #tpu.memory_space<hbm>>
      %dma_wait3A_15 = arith.constant 0 : i32
      %dma_wait3A_16 = arith.constant 0 : i32
      %dma_wait3A_17 = tpu.memref_slice %arg4[%add3A, %dma_wait3A_15, %dma_wait3A_16] : memref<32x80x128xi32, #tpu.memory_space<hbm>> -> memref<1x80x128xi32, #tpu.memory_space<hbm>>
      %dma_wait3A_18 = tpu.memref_squeeze %dma_wait3A_17 : memref<1x80x128xi32, #tpu.memory_space<hbm>> -> memref<80x128xi32, #tpu.memory_space<hbm>>
      tpu.wait_dma2 semaphore(%run_scoped3A : memref<!tpu.dma_semaphore, #tpu.memory_space<semaphore_mem>>) src(%dma_wait3A_18 : memref<80x128xi32, #tpu.memory_space<hbm>>) dst(%arg8 : memref<80x128xi32, #tpu.memory_space<vmem>>)
      tpu.yield
    }) : () -> ()
    %scan3A = arith.constant 0 : i32
    %scan3A_1 = arith.constant 80 : i32
    %scan3A_2 = arith.addi %scan3A, %scan3A_1 : i32
    %scan3A_3 = arith.constant 1 : i32
    scf.for %scan3A_5 = %scan3A to %scan3A_2 step %scan3A_3  : i32 {
      %mul3A_6 = arith.constant 1 : i32
      %mul3A_7 = arith.muli %scan3A_5, %mul3A_6 : i32
      %add3A_8 = arith.constant 0 : i32
      %add3A_9 = arith.addi %add3A_8, %mul3A_7 : i32
      %scan3A_10 = arith.constant 0 : i32
      %scan3A_11 = arith.constant 8 : i32
      %scan3A_12 = arith.addi %scan3A_10, %scan3A_11 : i32
      %scan3A_13 = arith.constant 1 : i32
      scf.for %scan3A_15 = %scan3A_10 to %scan3A_12 step %scan3A_13  : i32 {
        %mul3A_16 = arith.constant 16 : i32
        %mul3A_17 = arith.muli %scan3A_15, %mul3A_16 : i32
        %add3A_18 = arith.constant 0 : i32
        %add3A_19 = arith.addi %add3A_18, %mul3A_17 : i32
        %get3A = arith.index_cast %add3A_9 : i32 to index
        %get3A_20 = arith.index_cast %add3A_19 : i32 to index
        %get3A_21 = tpu.vector_load %arg7[%get3A, %get3A_20] {strides = array<i32>} : memref<80x128xi32, #tpu.memory_space<vmem>>, vector<16xi32>,
        %get3A_22 = arith.index_cast %add3A_9 : i32 to index
        %get3A_23 = arith.index_cast %add3A_19 : i32 to index
        %get3A_24 = tpu.vector_load %arg8[%get3A_22, %get3A_23] {strides = array<i32>} : memref<80x128xi32, #tpu.memory_space<vmem>>, vector<16xi32>,
        %shift_right_logical3A = arith.constant 7 : i32
        %shift_right_logical3A_25 = vector.broadcast %shift_right_logical3A : i32 to vector<16xi32>
        %shift_right_logical3A_26 = arith.shrui %get3A_21, %shift_right_logical3A_25 : vector<16xi32>
        %and3A = arith.constant 127 : i32
        %and3A_27 = vector.broadcast %and3A : i32 to vector<16xi32>
        %and3A_28 = arith.andi %get3A_21, %and3A_27 : vector<16xi32>
        %gather3A = tpu.vector_load_idx %arg9[%shift_right_logical3A_26, %and3A_28] : memref<80x128xf32, #tpu.memory_space<vmem>>[vector<16xi32>, vector<16xi32>], vector<16xf32>,
        %shift_right_logical3A_29 = arith.constant 7 : i32
        %shift_right_logical3A_30 = vector.broadcast %shift_right_logical3A_29 : i32 to vector<16xi32>
        %shift_right_logical3A_31 = arith.shrui %get3A_24, %shift_right_logical3A_30 : vector<16xi32>
        %and3A_32 = arith.constant 127 : i32
        %and3A_33 = vector.broadcast %and3A_32 : i32 to vector<16xi32>
        %and3A_34 = arith.andi %get3A_24, %and3A_33 : vector<16xi32>
        tpu.vector_store_idx %arg10[%shift_right_logical3A_31, %and3A_34], %gather3A {add = true} : memref<80x128xf32, #tpu.memory_space<vmem>>[vector<16xi32>, vector<16xi32>], vector<16xf32>,
      }
      %scan3A_14 = arith.constant 8 : i32
    }
    %scan3A_4 = arith.constant 80 : i32
    "tpu.region"() ({
      %run_scoped3A = tpu.sem_alloc : memref<!tpu.dma_semaphore, #tpu.memory_space<semaphore_mem>>
      %dma_start3A = arith.constant 0 : i32
      %dma_start3A_5 = arith.constant 0 : i32
      %dma_start3A_6 = tpu.memref_slice %arg6[%add3A, %dma_start3A, %dma_start3A_5] : memref<32x80x128xf32, #tpu.memory_space<hbm>> -> memref<1x80x128xf32, #tpu.memory_space<hbm>>
      %dma_start3A_7 = tpu.memref_squeeze %dma_start3A_6 : memref<1x80x128xf32, #tpu.memory_space<hbm>> -> memref<80x128xf32, #tpu.memory_space<hbm>>
      %dma_start3A_8 = arith.constant 0 : i32
      %dma_start3A_9 = arith.constant 0 : i32
      %dma_start3A_10 = tpu.memref_slice %arg6[%add3A, %dma_start3A_8, %dma_start3A_9] : memref<32x80x128xf32, #tpu.memory_space<hbm>> -> memref<1x80x128xf32, #tpu.memory_space<hbm>>
      %dma_start3A_11 = tpu.memref_squeeze %dma_start3A_10 : memref<1x80x128xf32, #tpu.memory_space<hbm>> -> memref<80x128xf32, #tpu.memory_space<hbm>>
      tpu.enqueue_dma source(%arg10 : memref<80x128xf32, #tpu.memory_space<vmem>>) target(%dma_start3A_11 : memref<80x128xf32, #tpu.memory_space<hbm>>) target_semaphore(%run_scoped3A : memref<!tpu.dma_semaphore, #tpu.memory_space<semaphore_mem>>)
      %dma_wait3A = arith.constant 0 : i32
      %dma_wait3A_12 = arith.constant 0 : i32
      %dma_wait3A_13 = tpu.memref_slice %arg6[%add3A, %dma_wait3A, %dma_wait3A_12] : memref<32x80x128xf32, #tpu.memory_space<hbm>> -> memref<1x80x128xf32, #tpu.memory_space<hbm>>
      %dma_wait3A_14 = tpu.memref_squeeze %dma_wait3A_13 : memref<1x80x128xf32, #tpu.memory_space<hbm>> -> memref<80x128xf32, #tpu.memory_space<hbm>>
      %dma_wait3A_15 = arith.constant 0 : i32
      %dma_wait3A_16 = arith.constant 0 : i32
      %dma_wait3A_17 = tpu.memref_slice %arg6[%add3A, %dma_wait3A_15, %dma_wait3A_16] : memref<32x80x128xf32, #tpu.memory_space<hbm>> -> memref<1x80x128xf32, #tpu.memory_space<hbm>>
      %dma_wait3A_18 = tpu.memref_squeeze %dma_wait3A_17 : memref<1x80x128xf32, #tpu.memory_space<hbm>> -> memref<80x128xf32, #tpu.memory_space<hbm>>
      tpu.wait_dma2 semaphore(%run_scoped3A : memref<!tpu.dma_semaphore, #tpu.memory_space<semaphore_mem>>) src(%arg10 : memref<80x128xf32, #tpu.memory_space<vmem>>) dst(%dma_wait3A_18 : memref<80x128xf32, #tpu.memory_space<hbm>>)
      tpu.yield
    }) : () -> ()
    return
  }
}

module attributes {stable_mosaic.version = 14 : i64} {
  func.func @_mm1_body(%arg0: i32, %arg1: memref<2000x128xf32, #tpu.memory_space<vmem>>, %arg2: memref<128x128xf32, #tpu.memory_space<vmem>>, %arg3: memref<2000x128xf32, #tpu.memory_space<vmem>>) attributes {dimension_semantics = [#tpu.dimension_semantics<arbitrary>], iteration_bounds = array<i64: 5>, scalar_prefetch = 0 : i64, scratch_operands = 0 : i64, tpu.core_type = #tpu.core_type<tc>, window_params = [{transform_indices = @transform_0, window_bounds = array<i64: 2000, 128>}, {pipeline_mode = #tpu.pipeline_mode<synchronous>, transform_indices = @transform_1, window_bounds = array<i64: 128, 128>}, {transform_indices = @transform_2, window_bounds = array<i64: 2000, 128>}]} {
    %get3A = arith.constant 0 : index
    %get3A_0 = arith.constant 0 : index
    %get3A_1 = vector.load %arg1[%get3A, %get3A_0] : memref<2000x128xf32, #tpu.memory_space<vmem>>, vector<2000x128xf32>
    %get3A_2 = arith.constant 0 : index
    %get3A_3 = arith.constant 0 : index
    %get3A_4 = vector.load %arg2[%get3A_2, %get3A_3] : memref<128x128xf32, #tpu.memory_space<vmem>>, vector<128x128xf32>
    %convert_element_type3A = arith.truncf %get3A_1 : vector<2000x128xf32> to vector<2000x128xbf16>
    %convert_element_type3A_5 = arith.extf %convert_element_type3A : vector<2000x128xbf16> to vector<2000x128xf32>
    %sub3A = arith.subf %get3A_1, %convert_element_type3A_5 : vector<2000x128xf32>
    %convert_element_type3A_6 = arith.truncf %get3A_4 : vector<128x128xf32> to vector<128x128xbf16>
    %convert_element_type3A_7 = arith.extf %convert_element_type3A_6 : vector<128x128xbf16> to vector<128x128xf32>
    %sub3A_8 = arith.subf %get3A_4, %convert_element_type3A_7 : vector<128x128xf32>
    %dot_general3A = arith.constant dense<0.000000e+00> : vector<2000x128xf32>
    %dot_general3A_9 = tpu.matmul %convert_element_type3A_5, %convert_element_type3A_7, %dot_general3A {dimension_numbers = #tpu.dot_dimension_numbers<[1], [1], [0], [0], [0, 0, 1, 0], [], []>, transpose_lhs_hint = false} : vector<2000x128xf32>, vector<128x128xf32>, vector<2000x128xf32> -> vector<2000x128xf32>
    %dot_general3A_10 = arith.constant dense<0.000000e+00> : vector<2000x128xf32>
    %dot_general3A_11 = tpu.matmul %convert_element_type3A_5, %sub3A_8, %dot_general3A_10 {dimension_numbers = #tpu.dot_dimension_numbers<[1], [1], [0], [0], [0, 0, 1, 0], [], []>, transpose_lhs_hint = false} : vector<2000x128xf32>, vector<128x128xf32>, vector<2000x128xf32> -> vector<2000x128xf32>
    %add3A = arith.addf %dot_general3A_9, %dot_general3A_11 : vector<2000x128xf32>
    %dot_general3A_12 = arith.constant dense<0.000000e+00> : vector<2000x128xf32>
    %dot_general3A_13 = tpu.matmul %sub3A, %convert_element_type3A_7, %dot_general3A_12 {dimension_numbers = #tpu.dot_dimension_numbers<[1], [1], [0], [0], [0, 0, 1, 0], [], []>, transpose_lhs_hint = false} : vector<2000x128xf32>, vector<128x128xf32>, vector<2000x128xf32> -> vector<2000x128xf32>
    %add3A_14 = arith.addf %add3A, %dot_general3A_13 : vector<2000x128xf32>
    %swap3A = arith.constant 0 : index
    %swap3A_15 = arith.constant 0 : index
    %swap3A_16 = vector.load %arg3[%swap3A, %swap3A_15] : memref<2000x128xf32, #tpu.memory_space<vmem>>, vector<2000x128xf32>
    tpu.vector_store %arg3[%swap3A, %swap3A_15], %add3A_14 {strides = array<i32>} : memref<2000x128xf32, #tpu.memory_space<vmem>>, vector<2000x128xf32>,
    return
  }
  func.func @transform_0(%arg0: i32) -> (i32, i32) {
    %c0_i32 = arith.constant 0 : i32
    %c0_i32_0 = arith.constant 0 : i32
    return %arg0, %c0_i32 : i32, i32
  }
  func.func @transform_1(%arg0: i32) -> (i32, i32) {
    %c0_i32 = arith.constant 0 : i32
    %c0_i32_0 = arith.constant 0 : i32
    %c0_i32_1 = arith.constant 0 : i32
    return %c0_i32, %c0_i32_0 : i32, i32
  }
  func.func @transform_2(%arg0: i32) -> (i32, i32) {
    %c0_i32 = arith.constant 0 : i32
    %c0_i32_0 = arith.constant 0 : i32
    return %arg0, %c0_i32 : i32, i32
  }
}

module attributes {stable_mosaic.version = 14 : i64} {
  func.func @_dinv_body(%arg0: i32, %arg1: memref<32x80x128xf32, #tpu.memory_space<vmem>>, %arg2: memref<80x128xf32, #tpu.memory_space<vmem>>) attributes {dimension_semantics = [#tpu.dimension_semantics<arbitrary>], iteration_bounds = array<i64: 1>, scalar_prefetch = 0 : i64, scratch_operands = 0 : i64, tpu.core_type = #tpu.core_type<tc>, window_params = [{pipeline_mode = #tpu.pipeline_mode<synchronous>, transform_indices = @transform_0, window_bounds = array<i64: 32, 80, 128>}, {pipeline_mode = #tpu.pipeline_mode<synchronous>, transform_indices = @transform_1, window_bounds = array<i64: 80, 128>}]} {
    %broadcast_in_dim3A = arith.constant 1.000000e+00 : f32
    %broadcast_in_dim3A_0 = vector.broadcast %broadcast_in_dim3A : f32 to vector<80x128xf32>
    %get3A = arith.constant 0 : index
    %get3A_1 = arith.constant 0 : index
    %get3A_2 = arith.constant 0 : index
    %get3A_3 = vector.load %arg1[%get3A, %get3A_1, %get3A_2] : memref<32x80x128xf32, #tpu.memory_space<vmem>>, vector<1x80x128xf32>
    %get3A_4 = vector.shape_cast %get3A_3 : vector<1x80x128xf32> to vector<80x128xf32>
    %add3A = arith.addf %broadcast_in_dim3A_0, %get3A_4 : vector<80x128xf32>
    %get3A_5 = arith.constant 1 : index
    %get3A_6 = arith.constant 0 : index
    %get3A_7 = arith.constant 0 : index
    %get3A_8 = vector.load %arg1[%get3A_5, %get3A_6, %get3A_7] : memref<32x80x128xf32, #tpu.memory_space<vmem>>, vector<1x80x128xf32>
    %get3A_9 = vector.shape_cast %get3A_8 : vector<1x80x128xf32> to vector<80x128xf32>
    %add3A_10 = arith.addf %add3A, %get3A_9 : vector<80x128xf32>
    %get3A_11 = arith.constant 2 : index
    %get3A_12 = arith.constant 0 : index
    %get3A_13 = arith.constant 0 : index
    %get3A_14 = vector.load %arg1[%get3A_11, %get3A_12, %get3A_13] : memref<32x80x128xf32, #tpu.memory_space<vmem>>, vector<1x80x128xf32>
    %get3A_15 = vector.shape_cast %get3A_14 : vector<1x80x128xf32> to vector<80x128xf32>
    %add3A_16 = arith.addf %add3A_10, %get3A_15 : vector<80x128xf32>
    %get3A_17 = arith.constant 3 : index
    %get3A_18 = arith.constant 0 : index
    %get3A_19 = arith.constant 0 : index
    %get3A_20 = vector.load %arg1[%get3A_17, %get3A_18, %get3A_19] : memref<32x80x128xf32, #tpu.memory_space<vmem>>, vector<1x80x128xf32>
    %get3A_21 = vector.shape_cast %get3A_20 : vector<1x80x128xf32> to vector<80x128xf32>
    %add3A_22 = arith.addf %add3A_16, %get3A_21 : vector<80x128xf32>
    %get3A_23 = arith.constant 4 : index
    %get3A_24 = arith.constant 0 : index
    %get3A_25 = arith.constant 0 : index
    %get3A_26 = vector.load %arg1[%get3A_23, %get3A_24, %get3A_25] : memref<32x80x128xf32, #tpu.memory_space<vmem>>, vector<1x80x128xf32>
    %get3A_27 = vector.shape_cast %get3A_26 : vector<1x80x128xf32> to vector<80x128xf32>
    %add3A_28 = arith.addf %add3A_22, %get3A_27 : vector<80x128xf32>
    %get3A_29 = arith.constant 5 : index
    %get3A_30 = arith.constant 0 : index
    %get3A_31 = arith.constant 0 : index
    %get3A_32 = vector.load %arg1[%get3A_29, %get3A_30, %get3A_31] : memref<32x80x128xf32, #tpu.memory_space<vmem>>, vector<1x80x128xf32>
    %get3A_33 = vector.shape_cast %get3A_32 : vector<1x80x128xf32> to vector<80x128xf32>
    %add3A_34 = arith.addf %add3A_28, %get3A_33 : vector<80x128xf32>
    %get3A_35 = arith.constant 6 : index
    %get3A_36 = arith.constant 0 : index
    %get3A_37 = arith.constant 0 : index
    %get3A_38 = vector.load %arg1[%get3A_35, %get3A_36, %get3A_37] : memref<32x80x128xf32, #tpu.memory_space<vmem>>, vector<1x80x128xf32>
    %get3A_39 = vector.shape_cast %get3A_38 : vector<1x80x128xf32> to vector<80x128xf32>
    %add3A_40 = arith.addf %add3A_34, %get3A_39 : vector<80x128xf32>
    %get3A_41 = arith.constant 7 : index
    %get3A_42 = arith.constant 0 : index
    %get3A_43 = arith.constant 0 : index
    %get3A_44 = vector.load %arg1[%get3A_41, %get3A_42, %get3A_43] : memref<32x80x128xf32, #tpu.memory_space<vmem>>, vector<1x80x128xf32>
    %get3A_45 = vector.shape_cast %get3A_44 : vector<1x80x128xf32> to vector<80x128xf32>
    %add3A_46 = arith.addf %add3A_40, %get3A_45 : vector<80x128xf32>
    %get3A_47 = arith.constant 8 : index
    %get3A_48 = arith.constant 0 : index
    %get3A_49 = arith.constant 0 : index
    %get3A_50 = vector.load %arg1[%get3A_47, %get3A_48, %get3A_49] : memref<32x80x128xf32, #tpu.memory_space<vmem>>, vector<1x80x128xf32>
    %get3A_51 = vector.shape_cast %get3A_50 : vector<1x80x128xf32> to vector<80x128xf32>
    %add3A_52 = arith.addf %add3A_46, %get3A_51 : vector<80x128xf32>
    %get3A_53 = arith.constant 9 : index
    %get3A_54 = arith.constant 0 : index
    %get3A_55 = arith.constant 0 : index
    %get3A_56 = vector.load %arg1[%get3A_53, %get3A_54, %get3A_55] : memref<32x80x128xf32, #tpu.memory_space<vmem>>, vector<1x80x128xf32>
    %get3A_57 = vector.shape_cast %get3A_56 : vector<1x80x128xf32> to vector<80x128xf32>
    %add3A_58 = arith.addf %add3A_52, %get3A_57 : vector<80x128xf32>
    %get3A_59 = arith.constant 10 : index
    %get3A_60 = arith.constant 0 : index
    %get3A_61 = arith.constant 0 : index
    %get3A_62 = vector.load %arg1[%get3A_59, %get3A_60, %get3A_61] : memref<32x80x128xf32, #tpu.memory_space<vmem>>, vector<1x80x128xf32>
    %get3A_63 = vector.shape_cast %get3A_62 : vector<1x80x128xf32> to vector<80x128xf32>
    %add3A_64 = arith.addf %add3A_58, %get3A_63 : vector<80x128xf32>
    %get3A_65 = arith.constant 11 : index
    %get3A_66 = arith.constant 0 : index
    %get3A_67 = arith.constant 0 : index
    %get3A_68 = vector.load %arg1[%get3A_65, %get3A_66, %get3A_67] : memref<32x80x128xf32, #tpu.memory_space<vmem>>, vector<1x80x128xf32>
    %get3A_69 = vector.shape_cast %get3A_68 : vector<1x80x128xf32> to vector<80x128xf32>
    %add3A_70 = arith.addf %add3A_64, %get3A_69 : vector<80x128xf32>
    %get3A_71 = arith.constant 12 : index
    %get3A_72 = arith.constant 0 : index
    %get3A_73 = arith.constant 0 : index
    %get3A_74 = vector.load %arg1[%get3A_71, %get3A_72, %get3A_73] : memref<32x80x128xf32, #tpu.memory_space<vmem>>, vector<1x80x128xf32>
    %get3A_75 = vector.shape_cast %get3A_74 : vector<1x80x128xf32> to vector<80x128xf32>
    %add3A_76 = arith.addf %add3A_70, %get3A_75 : vector<80x128xf32>
    %get3A_77 = arith.constant 13 : index
    %get3A_78 = arith.constant 0 : index
    %get3A_79 = arith.constant 0 : index
    %get3A_80 = vector.load %arg1[%get3A_77, %get3A_78, %get3A_79] : memref<32x80x128xf32, #tpu.memory_space<vmem>>, vector<1x80x128xf32>
    %get3A_81 = vector.shape_cast %get3A_80 : vector<1x80x128xf32> to vector<80x128xf32>
    %add3A_82 = arith.addf %add3A_76, %get3A_81 : vector<80x128xf32>
    %get3A_83 = arith.constant 14 : index
    %get3A_84 = arith.constant 0 : index
    %get3A_85 = arith.constant 0 : index
    %get3A_86 = vector.load %arg1[%get3A_83, %get3A_84, %get3A_85] : memref<32x80x128xf32, #tpu.memory_space<vmem>>, vector<1x80x128xf32>
    %get3A_87 = vector.shape_cast %get3A_86 : vector<1x80x128xf32> to vector<80x128xf32>
    %add3A_88 = arith.addf %add3A_82, %get3A_87 : vector<80x128xf32>
    %get3A_89 = arith.constant 15 : index
    %get3A_90 = arith.constant 0 : index
    %get3A_91 = arith.constant 0 : index
    %get3A_92 = vector.load %arg1[%get3A_89, %get3A_90, %get3A_91] : memref<32x80x128xf32, #tpu.memory_space<vmem>>, vector<1x80x128xf32>
    %get3A_93 = vector.shape_cast %get3A_92 : vector<1x80x128xf32> to vector<80x128xf32>
    %add3A_94 = arith.addf %add3A_88, %get3A_93 : vector<80x128xf32>
    %get3A_95 = arith.constant 16 : index
    %get3A_96 = arith.constant 0 : index
    %get3A_97 = arith.constant 0 : index
    %get3A_98 = vector.load %arg1[%get3A_95, %get3A_96, %get3A_97] : memref<32x80x128xf32, #tpu.memory_space<vmem>>, vector<1x80x128xf32>
    %get3A_99 = vector.shape_cast %get3A_98 : vector<1x80x128xf32> to vector<80x128xf32>
    %add3A_100 = arith.addf %add3A_94, %get3A_99 : vector<80x128xf32>
    %get3A_101 = arith.constant 17 : index
    %get3A_102 = arith.constant 0 : index
    %get3A_103 = arith.constant 0 : index
    %get3A_104 = vector.load %arg1[%get3A_101, %get3A_102, %get3A_103] : memref<32x80x128xf32, #tpu.memory_space<vmem>>, vector<1x80x128xf32>
    %get3A_105 = vector.shape_cast %get3A_104 : vector<1x80x128xf32> to vector<80x128xf32>
    %add3A_106 = arith.addf %add3A_100, %get3A_105 : vector<80x128xf32>
    %get3A_107 = arith.constant 18 : index
    %get3A_108 = arith.constant 0 : index
    %get3A_109 = arith.constant 0 : index
    %get3A_110 = vector.load %arg1[%get3A_107, %get3A_108, %get3A_109] : memref<32x80x128xf32, #tpu.memory_space<vmem>>, vector<1x80x128xf32>
    %get3A_111 = vector.shape_cast %get3A_110 : vector<1x80x128xf32> to vector<80x128xf32>
    %add3A_112 = arith.addf %add3A_106, %get3A_111 : vector<80x128xf32>
    %get3A_113 = arith.constant 19 : index
    %get3A_114 = arith.constant 0 : index
    %get3A_115 = arith.constant 0 : index
    %get3A_116 = vector.load %arg1[%get3A_113, %get3A_114, %get3A_115] : memref<32x80x128xf32, #tpu.memory_space<vmem>>, vector<1x80x128xf32>
    %get3A_117 = vector.shape_cast %get3A_116 : vector<1x80x128xf32> to vector<80x128xf32>
    %add3A_118 = arith.addf %add3A_112, %get3A_117 : vector<80x128xf32>
    %get3A_119 = arith.constant 20 : index
    %get3A_120 = arith.constant 0 : index
    %get3A_121 = arith.constant 0 : index
    %get3A_122 = vector.load %arg1[%get3A_119, %get3A_120, %get3A_121] : memref<32x80x128xf32, #tpu.memory_space<vmem>>, vector<1x80x128xf32>
    %get3A_123 = vector.shape_cast %get3A_122 : vector<1x80x128xf32> to vector<80x128xf32>
    %add3A_124 = arith.addf %add3A_118, %get3A_123 : vector<80x128xf32>
    %get3A_125 = arith.constant 21 : index
    %get3A_126 = arith.constant 0 : index
    %get3A_127 = arith.constant 0 : index
    %get3A_128 = vector.load %arg1[%get3A_125, %get3A_126, %get3A_127] : memref<32x80x128xf32, #tpu.memory_space<vmem>>, vector<1x80x128xf32>
    %get3A_129 = vector.shape_cast %get3A_128 : vector<1x80x128xf32> to vector<80x128xf32>
    %add3A_130 = arith.addf %add3A_124, %get3A_129 : vector<80x128xf32>
    %get3A_131 = arith.constant 22 : index
    %get3A_132 = arith.constant 0 : index
    %get3A_133 = arith.constant 0 : index
    %get3A_134 = vector.load %arg1[%get3A_131, %get3A_132, %get3A_133] : memref<32x80x128xf32, #tpu.memory_space<vmem>>, vector<1x80x128xf32>
    %get3A_135 = vector.shape_cast %get3A_134 : vector<1x80x128xf32> to vector<80x128xf32>
    %add3A_136 = arith.addf %add3A_130, %get3A_135 : vector<80x128xf32>
    %get3A_137 = arith.constant 23 : index
    %get3A_138 = arith.constant 0 : index
    %get3A_139 = arith.constant 0 : index
    %get3A_140 = vector.load %arg1[%get3A_137, %get3A_138, %get3A_139] : memref<32x80x128xf32, #tpu.memory_space<vmem>>, vector<1x80x128xf32>
    %get3A_141 = vector.shape_cast %get3A_140 : vector<1x80x128xf32> to vector<80x128xf32>
    %add3A_142 = arith.addf %add3A_136, %get3A_141 : vector<80x128xf32>
    %get3A_143 = arith.constant 24 : index
    %get3A_144 = arith.constant 0 : index
    %get3A_145 = arith.constant 0 : index
    %get3A_146 = vector.load %arg1[%get3A_143, %get3A_144, %get3A_145] : memref<32x80x128xf32, #tpu.memory_space<vmem>>, vector<1x80x128xf32>
    %get3A_147 = vector.shape_cast %get3A_146 : vector<1x80x128xf32> to vector<80x128xf32>
    %add3A_148 = arith.addf %add3A_142, %get3A_147 : vector<80x128xf32>
    %get3A_149 = arith.constant 25 : index
    %get3A_150 = arith.constant 0 : index
    %get3A_151 = arith.constant 0 : index
    %get3A_152 = vector.load %arg1[%get3A_149, %get3A_150, %get3A_151] : memref<32x80x128xf32, #tpu.memory_space<vmem>>, vector<1x80x128xf32>
    %get3A_153 = vector.shape_cast %get3A_152 : vector<1x80x128xf32> to vector<80x128xf32>
    %add3A_154 = arith.addf %add3A_148, %get3A_153 : vector<80x128xf32>
    %get3A_155 = arith.constant 26 : index
    %get3A_156 = arith.constant 0 : index
    %get3A_157 = arith.constant 0 : index
    %get3A_158 = vector.load %arg1[%get3A_155, %get3A_156, %get3A_157] : memref<32x80x128xf32, #tpu.memory_space<vmem>>, vector<1x80x128xf32>
    %get3A_159 = vector.shape_cast %get3A_158 : vector<1x80x128xf32> to vector<80x128xf32>
    %add3A_160 = arith.addf %add3A_154, %get3A_159 : vector<80x128xf32>
    %get3A_161 = arith.constant 27 : index
    %get3A_162 = arith.constant 0 : index
    %get3A_163 = arith.constant 0 : index
    %get3A_164 = vector.load %arg1[%get3A_161, %get3A_162, %get3A_163] : memref<32x80x128xf32, #tpu.memory_space<vmem>>, vector<1x80x128xf32>
    %get3A_165 = vector.shape_cast %get3A_164 : vector<1x80x128xf32> to vector<80x128xf32>
    %add3A_166 = arith.addf %add3A_160, %get3A_165 : vector<80x128xf32>
    %get3A_167 = arith.constant 28 : index
    %get3A_168 = arith.constant 0 : index
    %get3A_169 = arith.constant 0 : index
    %get3A_170 = vector.load %arg1[%get3A_167, %get3A_168, %get3A_169] : memref<32x80x128xf32, #tpu.memory_space<vmem>>, vector<1x80x128xf32>
    %get3A_171 = vector.shape_cast %get3A_170 : vector<1x80x128xf32> to vector<80x128xf32>
    %add3A_172 = arith.addf %add3A_166, %get3A_171 : vector<80x128xf32>
    %get3A_173 = arith.constant 29 : index
    %get3A_174 = arith.constant 0 : index
    %get3A_175 = arith.constant 0 : index
    %get3A_176 = vector.load %arg1[%get3A_173, %get3A_174, %get3A_175] : memref<32x80x128xf32, #tpu.memory_space<vmem>>, vector<1x80x128xf32>
    %get3A_177 = vector.shape_cast %get3A_176 : vector<1x80x128xf32> to vector<80x128xf32>
    %add3A_178 = arith.addf %add3A_172, %get3A_177 : vector<80x128xf32>
    %get3A_179 = arith.constant 30 : index
    %get3A_180 = arith.constant 0 : index
    %get3A_181 = arith.constant 0 : index
    %get3A_182 = vector.load %arg1[%get3A_179, %get3A_180, %get3A_181] : memref<32x80x128xf32, #tpu.memory_space<vmem>>, vector<1x80x128xf32>
    %get3A_183 = vector.shape_cast %get3A_182 : vector<1x80x128xf32> to vector<80x128xf32>
    %add3A_184 = arith.addf %add3A_178, %get3A_183 : vector<80x128xf32>
    %get3A_185 = arith.constant 31 : index
    %get3A_186 = arith.constant 0 : index
    %get3A_187 = arith.constant 0 : index
    %get3A_188 = vector.load %arg1[%get3A_185, %get3A_186, %get3A_187] : memref<32x80x128xf32, #tpu.memory_space<vmem>>, vector<1x80x128xf32>
    %get3A_189 = vector.shape_cast %get3A_188 : vector<1x80x128xf32> to vector<80x128xf32>
    %add3A_190 = arith.addf %add3A_184, %get3A_189 : vector<80x128xf32>
    %rsqrt3A = math.rsqrt %add3A_190 : vector<80x128xf32>
    %swap3A = arith.constant 0 : index
    %swap3A_191 = arith.constant 0 : index
    %swap3A_192 = vector.load %arg2[%swap3A, %swap3A_191] : memref<80x128xf32, #tpu.memory_space<vmem>>, vector<80x128xf32>
    tpu.vector_store %arg2[%swap3A, %swap3A_191], %rsqrt3A {strides = array<i32>} : memref<80x128xf32, #tpu.memory_space<vmem>>, vector<80x128xf32>,
    return
  }
  func.func @transform_0(%arg0: i32) -> (i32, i32, i32) {
    %c0_i32 = arith.constant 0 : i32
    %c0_i32_0 = arith.constant 0 : i32
    %c0_i32_1 = arith.constant 0 : i32
    %c0_i32_2 = arith.constant 0 : i32
    return %c0_i32, %c0_i32_0, %c0_i32_1 : i32, i32, i32
  }
  func.func @transform_1(%arg0: i32) -> (i32, i32) {
    %c0_i32 = arith.constant 0 : i32
    %c0_i32_0 = arith.constant 0 : i32
    %c0_i32_1 = arith.constant 0 : i32
    return %c0_i32, %c0_i32_0 : i32, i32
  }
}

module attributes {stable_mosaic.version = 14 : i64} {
  func.func @_scale1_body(%arg0: i32, %arg1: memref<2000x128xf32, #tpu.memory_space<vmem>>, %arg2: memref<2000x1xf32, #tpu.memory_space<vmem>>, %arg3: memref<2000x128xf32, #tpu.memory_space<vmem>>) attributes {dimension_semantics = [#tpu.dimension_semantics<arbitrary>], iteration_bounds = array<i64: 5>, scalar_prefetch = 0 : i64, scratch_operands = 0 : i64, tpu.core_type = #tpu.core_type<tc>, window_params = [{transform_indices = @transform_0, window_bounds = array<i64: 2000, 128>}, {transform_indices = @transform_1, window_bounds = array<i64: 2000, 1>}, {transform_indices = @transform_2, window_bounds = array<i64: 2000, 128>}]} {
    %get3A = arith.constant 0 : index
    %get3A_0 = arith.constant 0 : index
    %get3A_1 = vector.load %arg1[%get3A, %get3A_0] : memref<2000x128xf32, #tpu.memory_space<vmem>>, vector<2000x128xf32>
    %get3A_2 = arith.constant 0 : index
    %get3A_3 = arith.constant 0 : index
    %get3A_4 = vector.load %arg2[%get3A_2, %get3A_3] : memref<2000x1xf32, #tpu.memory_space<vmem>>, vector<2000x1xf32>
    %mul3A = vector.broadcast %get3A_4 : vector<2000x1xf32> to vector<2000x128xf32>
    %mul3A_5 = arith.mulf %get3A_1, %mul3A : vector<2000x128xf32>
    %swap3A = arith.constant 0 : index
    %swap3A_6 = arith.constant 0 : index
    %swap3A_7 = vector.load %arg3[%swap3A, %swap3A_6] : memref<2000x128xf32, #tpu.memory_space<vmem>>, vector<2000x128xf32>
    tpu.vector_store %arg3[%swap3A, %swap3A_6], %mul3A_5 {strides = array<i32>} : memref<2000x128xf32, #tpu.memory_space<vmem>>, vector<2000x128xf32>,
    return
  }
  func.func @transform_0(%arg0: i32) -> (i32, i32) {
    %c0_i32 = arith.constant 0 : i32
    %c0_i32_0 = arith.constant 0 : i32
    return %arg0, %c0_i32 : i32, i32
  }
  func.func @transform_1(%arg0: i32) -> (i32, i32) {
    %c0_i32 = arith.constant 0 : i32
    %c0_i32_0 = arith.constant 0 : i32
    return %arg0, %c0_i32 : i32, i32
  }
  func.func @transform_2(%arg0: i32) -> (i32, i32) {
    %c0_i32 = arith.constant 0 : i32
    %c0_i32_0 = arith.constant 0 : i32
    return %arg0, %c0_i32 : i32, i32
  }
}

module attributes {stable_mosaic.version = 14 : i64} {
  func.func @_layer2_body(%arg0: i32, %arg1: memref<2x2000x128xf32, #tpu.memory_space<vmem>>, %arg2: memref<2000x128xf32, #tpu.memory_space<vmem>>, %arg3: memref<2000x1xf32, #tpu.memory_space<vmem>>, %arg4: memref<128xf32, #tpu.memory_space<vmem>>, %arg5: memref<1x128xf32, #tpu.memory_space<vmem>>, %arg6: memref<2000x1xf32, #tpu.memory_space<vmem>>) attributes {dimension_semantics = [#tpu.dimension_semantics<arbitrary>], iteration_bounds = array<i64: 5>, scalar_prefetch = 0 : i64, scratch_operands = 0 : i64, tpu.core_type = #tpu.core_type<tc>, window_params = [{transform_indices = @transform_0, window_bounds = array<i64: 2, 2000, 128>}, {transform_indices = @transform_1, window_bounds = array<i64: 2000, 128>}, {transform_indices = @transform_2, window_bounds = array<i64: 2000, 1>}, {pipeline_mode = #tpu.pipeline_mode<synchronous>, transform_indices = @transform_3, window_bounds = array<i64: 128>}, {pipeline_mode = #tpu.pipeline_mode<synchronous>, transform_indices = @transform_4, window_bounds = array<i64: 1, 128>}, {transform_indices = @transform_5, window_bounds = array<i64: 2000, 1>}]} {
    %get3A = arith.constant 0 : index
    %get3A_0 = arith.constant 0 : index
    %get3A_1 = arith.constant 0 : index
    %get3A_2 = vector.load %arg1[%get3A, %get3A_0, %get3A_1] : memref<2x2000x128xf32, #tpu.memory_space<vmem>>, vector<1x2000x128xf32>
    %get3A_3 = vector.shape_cast %get3A_2 : vector<1x2000x128xf32> to vector<2000x128xf32>
    %get3A_4 = arith.constant 1 : index
    %get3A_5 = arith.constant 0 : index
    %get3A_6 = arith.constant 0 : index
    %get3A_7 = vector.load %arg1[%get3A_4, %get3A_5, %get3A_6] : memref<2x2000x128xf32, #tpu.memory_space<vmem>>, vector<1x2000x128xf32>
    %get3A_8 = vector.shape_cast %get3A_7 : vector<1x2000x128xf32> to vector<2000x128xf32>
    %add3A = arith.addf %get3A_3, %get3A_8 : vector<2000x128xf32>
    %get3A_9 = arith.constant 0 : index
    %get3A_10 = arith.constant 0 : index
    %get3A_11 = vector.load %arg2[%get3A_9, %get3A_10] : memref<2000x128xf32, #tpu.memory_space<vmem>>, vector<2000x128xf32>
    %add3A_12 = arith.addf %add3A, %get3A_11 : vector<2000x128xf32>
    %get3A_13 = arith.constant 0 : index
    %get3A_14 = arith.constant 0 : index
    %get3A_15 = vector.load %arg3[%get3A_13, %get3A_14] : memref<2000x1xf32, #tpu.memory_space<vmem>>, vector<2000x1xf32>
    %mul3A = vector.broadcast %get3A_15 : vector<2000x1xf32> to vector<2000x128xf32>
    %mul3A_16 = arith.mulf %add3A_12, %mul3A : vector<2000x128xf32>
    %get3A_17 = arith.constant 0 : index
    %get3A_18 = vector.load %arg4[%get3A_17] : memref<128xf32, #tpu.memory_space<vmem>>, vector<128xf32>
    %broadcast_in_dim3A = vector.shape_cast %get3A_18 : vector<128xf32> to vector<1x128xf32>
    %add3A_19 = vector.broadcast %broadcast_in_dim3A : vector<1x128xf32> to vector<2000x128xf32>
    %add3A_20 = arith.addf %mul3A_16, %add3A_19 : vector<2000x128xf32>
    %max3A = arith.constant 0.000000e+00 : f32
    %max3A_21 = vector.broadcast %max3A : f32 to vector<2000x128xf32>
    %max3A_22 = arith.maximumf %add3A_20, %max3A_21 : vector<2000x128xf32>
    %get3A_23 = arith.constant 0 : index
    %get3A_24 = arith.constant 0 : index
    %get3A_25 = vector.load %arg5[%get3A_23, %get3A_24] : memref<1x128xf32, #tpu.memory_space<vmem>>, vector<1x128xf32>
    %mul3A_26 = vector.broadcast %get3A_25 : vector<1x128xf32> to vector<2000x128xf32>
    %mul3A_27 = arith.mulf %max3A_22, %mul3A_26 : vector<2000x128xf32>
    %reduce_sum3A = arith.constant dense<0.000000e+00> : vector<2000xf32>
    %reduce_sum3A_28 = vector.multi_reduction <add>, %mul3A_27, %reduce_sum3A [1] : vector<2000x128xf32> to vector<2000xf32>
    %broadcast_in_dim3A_29 = vector.shape_cast %reduce_sum3A_28 : vector<2000xf32> to vector<2000x1xf32>
    %get3A_30 = arith.constant 0 : index
    %get3A_31 = arith.constant 0 : index
    %get3A_32 = vector.load %arg3[%get3A_30, %get3A_31] : memref<2000x1xf32, #tpu.memory_space<vmem>>, vector<2000x1xf32>
    %mul3A_33 = arith.mulf %broadcast_in_dim3A_29, %get3A_32 : vector<2000x1xf32>
    %swap3A = arith.constant 0 : index
    %swap3A_34 = arith.constant 0 : index
    %swap3A_35 = vector.load %arg6[%swap3A, %swap3A_34] : memref<2000x1xf32, #tpu.memory_space<vmem>>, vector<2000x1xf32>
    tpu.vector_store %arg6[%swap3A, %swap3A_34], %mul3A_33 {strides = array<i32>} : memref<2000x1xf32, #tpu.memory_space<vmem>>, vector<2000x1xf32>,
    return
  }
  func.func @transform_0(%arg0: i32) -> (i32, i32, i32) {
    %c0_i32 = arith.constant 0 : i32
    %c0_i32_0 = arith.constant 0 : i32
    %c0_i32_1 = arith.constant 0 : i32
    return %c0_i32, %arg0, %c0_i32_0 : i32, i32, i32
  }
  func.func @transform_1(%arg0: i32) -> (i32, i32) {
    %c0_i32 = arith.constant 0 : i32
    %c0_i32_0 = arith.constant 0 : i32
    return %arg0, %c0_i32 : i32, i32
  }
  func.func @transform_2(%arg0: i32) -> (i32, i32) {
    %c0_i32 = arith.constant 0 : i32
    %c0_i32_0 = arith.constant 0 : i32
    return %arg0, %c0_i32 : i32, i32
  }
  func.func @transform_3(%arg0: i32) -> i32 {
    %c0_i32 = arith.constant 0 : i32
    %c0_i32_0 = arith.constant 0 : i32
    return %c0_i32 : i32
  }
  func.func @transform_4(%arg0: i32) -> (i32, i32) {
    %c0_i32 = arith.constant 0 : i32
    %c0_i32_0 = arith.constant 0 : i32
    %c0_i32_1 = arith.constant 0 : i32
    return %c0_i32, %c0_i32_0 : i32, i32
  }
  func.func @transform_5(%arg0: i32) -> (i32, i32) {
    %c0_i32 = arith.constant 0 : i32
    %c0_i32_0 = arith.constant 0 : i32
    return %arg0, %c0_i32 : i32, i32
  }
}

module attributes {stable_mosaic.version = 14 : i64} {
  func.func @_final_body(%arg0: i32, %arg1: memref<32x80x128xf32, #tpu.memory_space<vmem>>, %arg2: memref<80x128xf32, #tpu.memory_space<vmem>>, %arg3: memref<80x128xf32, #tpu.memory_space<vmem>>, %arg4: memref<1xf32, #tpu.memory_space<vmem>>, %arg5: memref<80x128xf32, #tpu.memory_space<vmem>>) attributes {dimension_semantics = [#tpu.dimension_semantics<arbitrary>], iteration_bounds = array<i64: 1>, scalar_prefetch = 0 : i64, scratch_operands = 0 : i64, tpu.core_type = #tpu.core_type<tc>, window_params = [{pipeline_mode = #tpu.pipeline_mode<synchronous>, transform_indices = @transform_0, window_bounds = array<i64: 32, 80, 128>}, {pipeline_mode = #tpu.pipeline_mode<synchronous>, transform_indices = @transform_1, window_bounds = array<i64: 80, 128>}, {pipeline_mode = #tpu.pipeline_mode<synchronous>, transform_indices = @transform_2, window_bounds = array<i64: 80, 128>}, {pipeline_mode = #tpu.pipeline_mode<synchronous>, transform_indices = @transform_3, window_bounds = array<i64: 1>}, {pipeline_mode = #tpu.pipeline_mode<synchronous>, transform_indices = @transform_4, window_bounds = array<i64: 80, 128>}]} {
    %get3A = arith.constant 0 : index
    %get3A_0 = arith.constant 0 : index
    %get3A_1 = vector.load %arg2[%get3A, %get3A_0] : memref<80x128xf32, #tpu.memory_space<vmem>>, vector<80x128xf32>
    %get3A_2 = arith.constant 0 : index
    %get3A_3 = arith.constant 0 : index
    %get3A_4 = arith.constant 0 : index
    %get3A_5 = vector.load %arg1[%get3A_2, %get3A_3, %get3A_4] : memref<32x80x128xf32, #tpu.memory_space<vmem>>, vector<1x80x128xf32>
    %get3A_6 = vector.shape_cast %get3A_5 : vector<1x80x128xf32> to vector<80x128xf32>
    %add3A = arith.addf %get3A_1, %get3A_6 : vector<80x128xf32>
    %get3A_7 = arith.constant 1 : index
    %get3A_8 = arith.constant 0 : index
    %get3A_9 = arith.constant 0 : index
    %get3A_10 = vector.load %arg1[%get3A_7, %get3A_8, %get3A_9] : memref<32x80x128xf32, #tpu.memory_space<vmem>>, vector<1x80x128xf32>
    %get3A_11 = vector.shape_cast %get3A_10 : vector<1x80x128xf32> to vector<80x128xf32>
    %add3A_12 = arith.addf %add3A, %get3A_11 : vector<80x128xf32>
    %get3A_13 = arith.constant 2 : index
    %get3A_14 = arith.constant 0 : index
    %get3A_15 = arith.constant 0 : index
    %get3A_16 = vector.load %arg1[%get3A_13, %get3A_14, %get3A_15] : memref<32x80x128xf32, #tpu.memory_space<vmem>>, vector<1x80x128xf32>
    %get3A_17 = vector.shape_cast %get3A_16 : vector<1x80x128xf32> to vector<80x128xf32>
    %add3A_18 = arith.addf %add3A_12, %get3A_17 : vector<80x128xf32>
    %get3A_19 = arith.constant 3 : index
    %get3A_20 = arith.constant 0 : index
    %get3A_21 = arith.constant 0 : index
    %get3A_22 = vector.load %arg1[%get3A_19, %get3A_20, %get3A_21] : memref<32x80x128xf32, #tpu.memory_space<vmem>>, vector<1x80x128xf32>
    %get3A_23 = vector.shape_cast %get3A_22 : vector<1x80x128xf32> to vector<80x128xf32>
    %add3A_24 = arith.addf %add3A_18, %get3A_23 : vector<80x128xf32>
    %get3A_25 = arith.constant 4 : index
    %get3A_26 = arith.constant 0 : index
    %get3A_27 = arith.constant 0 : index
    %get3A_28 = vector.load %arg1[%get3A_25, %get3A_26, %get3A_27] : memref<32x80x128xf32, #tpu.memory_space<vmem>>, vector<1x80x128xf32>
    %get3A_29 = vector.shape_cast %get3A_28 : vector<1x80x128xf32> to vector<80x128xf32>
    %add3A_30 = arith.addf %add3A_24, %get3A_29 : vector<80x128xf32>
    %get3A_31 = arith.constant 5 : index
    %get3A_32 = arith.constant 0 : index
    %get3A_33 = arith.constant 0 : index
    %get3A_34 = vector.load %arg1[%get3A_31, %get3A_32, %get3A_33] : memref<32x80x128xf32, #tpu.memory_space<vmem>>, vector<1x80x128xf32>
    %get3A_35 = vector.shape_cast %get3A_34 : vector<1x80x128xf32> to vector<80x128xf32>
    %add3A_36 = arith.addf %add3A_30, %get3A_35 : vector<80x128xf32>
    %get3A_37 = arith.constant 6 : index
    %get3A_38 = arith.constant 0 : index
    %get3A_39 = arith.constant 0 : index
    %get3A_40 = vector.load %arg1[%get3A_37, %get3A_38, %get3A_39] : memref<32x80x128xf32, #tpu.memory_space<vmem>>, vector<1x80x128xf32>
    %get3A_41 = vector.shape_cast %get3A_40 : vector<1x80x128xf32> to vector<80x128xf32>
    %add3A_42 = arith.addf %add3A_36, %get3A_41 : vector<80x128xf32>
    %get3A_43 = arith.constant 7 : index
    %get3A_44 = arith.constant 0 : index
    %get3A_45 = arith.constant 0 : index
    %get3A_46 = vector.load %arg1[%get3A_43, %get3A_44, %get3A_45] : memref<32x80x128xf32, #tpu.memory_space<vmem>>, vector<1x80x128xf32>
    %get3A_47 = vector.shape_cast %get3A_46 : vector<1x80x128xf32> to vector<80x128xf32>
    %add3A_48 = arith.addf %add3A_42, %get3A_47 : vector<80x128xf32>
    %get3A_49 = arith.constant 8 : index
    %get3A_50 = arith.constant 0 : index
    %get3A_51 = arith.constant 0 : index
    %get3A_52 = vector.load %arg1[%get3A_49, %get3A_50, %get3A_51] : memref<32x80x128xf32, #tpu.memory_space<vmem>>, vector<1x80x128xf32>
    %get3A_53 = vector.shape_cast %get3A_52 : vector<1x80x128xf32> to vector<80x128xf32>
    %add3A_54 = arith.addf %add3A_48, %get3A_53 : vector<80x128xf32>
    %get3A_55 = arith.constant 9 : index
    %get3A_56 = arith.constant 0 : index
    %get3A_57 = arith.constant 0 : index
    %get3A_58 = vector.load %arg1[%get3A_55, %get3A_56, %get3A_57] : memref<32x80x128xf32, #tpu.memory_space<vmem>>, vector<1x80x128xf32>
    %get3A_59 = vector.shape_cast %get3A_58 : vector<1x80x128xf32> to vector<80x128xf32>
    %add3A_60 = arith.addf %add3A_54, %get3A_59 : vector<80x128xf32>
    %get3A_61 = arith.constant 10 : index
    %get3A_62 = arith.constant 0 : index
    %get3A_63 = arith.constant 0 : index
    %get3A_64 = vector.load %arg1[%get3A_61, %get3A_62, %get3A_63] : memref<32x80x128xf32, #tpu.memory_space<vmem>>, vector<1x80x128xf32>
    %get3A_65 = vector.shape_cast %get3A_64 : vector<1x80x128xf32> to vector<80x128xf32>
    %add3A_66 = arith.addf %add3A_60, %get3A_65 : vector<80x128xf32>
    %get3A_67 = arith.constant 11 : index
    %get3A_68 = arith.constant 0 : index
    %get3A_69 = arith.constant 0 : index
    %get3A_70 = vector.load %arg1[%get3A_67, %get3A_68, %get3A_69] : memref<32x80x128xf32, #tpu.memory_space<vmem>>, vector<1x80x128xf32>
    %get3A_71 = vector.shape_cast %get3A_70 : vector<1x80x128xf32> to vector<80x128xf32>
    %add3A_72 = arith.addf %add3A_66, %get3A_71 : vector<80x128xf32>
    %get3A_73 = arith.constant 12 : index
    %get3A_74 = arith.constant 0 : index
    %get3A_75 = arith.constant 0 : index
    %get3A_76 = vector.load %arg1[%get3A_73, %get3A_74, %get3A_75] : memref<32x80x128xf32, #tpu.memory_space<vmem>>, vector<1x80x128xf32>
    %get3A_77 = vector.shape_cast %get3A_76 : vector<1x80x128xf32> to vector<80x128xf32>
    %add3A_78 = arith.addf %add3A_72, %get3A_77 : vector<80x128xf32>
    %get3A_79 = arith.constant 13 : index
    %get3A_80 = arith.constant 0 : index
    %get3A_81 = arith.constant 0 : index
    %get3A_82 = vector.load %arg1[%get3A_79, %get3A_80, %get3A_81] : memref<32x80x128xf32, #tpu.memory_space<vmem>>, vector<1x80x128xf32>
    %get3A_83 = vector.shape_cast %get3A_82 : vector<1x80x128xf32> to vector<80x128xf32>
    %add3A_84 = arith.addf %add3A_78, %get3A_83 : vector<80x128xf32>
    %get3A_85 = arith.constant 14 : index
    %get3A_86 = arith.constant 0 : index
    %get3A_87 = arith.constant 0 : index
    %get3A_88 = vector.load %arg1[%get3A_85, %get3A_86, %get3A_87] : memref<32x80x128xf32, #tpu.memory_space<vmem>>, vector<1x80x128xf32>
    %get3A_89 = vector.shape_cast %get3A_88 : vector<1x80x128xf32> to vector<80x128xf32>
    %add3A_90 = arith.addf %add3A_84, %get3A_89 : vector<80x128xf32>
    %get3A_91 = arith.constant 15 : index
    %get3A_92 = arith.constant 0 : index
    %get3A_93 = arith.constant 0 : index
    %get3A_94 = vector.load %arg1[%get3A_91, %get3A_92, %get3A_93] : memref<32x80x128xf32, #tpu.memory_space<vmem>>, vector<1x80x128xf32>
    %get3A_95 = vector.shape_cast %get3A_94 : vector<1x80x128xf32> to vector<80x128xf32>
    %add3A_96 = arith.addf %add3A_90, %get3A_95 : vector<80x128xf32>
    %get3A_97 = arith.constant 16 : index
    %get3A_98 = arith.constant 0 : index
    %get3A_99 = arith.constant 0 : index
    %get3A_100 = vector.load %arg1[%get3A_97, %get3A_98, %get3A_99] : memref<32x80x128xf32, #tpu.memory_space<vmem>>, vector<1x80x128xf32>
    %get3A_101 = vector.shape_cast %get3A_100 : vector<1x80x128xf32> to vector<80x128xf32>
    %add3A_102 = arith.addf %add3A_96, %get3A_101 : vector<80x128xf32>
    %get3A_103 = arith.constant 17 : index
    %get3A_104 = arith.constant 0 : index
    %get3A_105 = arith.constant 0 : index
    %get3A_106 = vector.load %arg1[%get3A_103, %get3A_104, %get3A_105] : memref<32x80x128xf32, #tpu.memory_space<vmem>>, vector<1x80x128xf32>
    %get3A_107 = vector.shape_cast %get3A_106 : vector<1x80x128xf32> to vector<80x128xf32>
    %add3A_108 = arith.addf %add3A_102, %get3A_107 : vector<80x128xf32>
    %get3A_109 = arith.constant 18 : index
    %get3A_110 = arith.constant 0 : index
    %get3A_111 = arith.constant 0 : index
    %get3A_112 = vector.load %arg1[%get3A_109, %get3A_110, %get3A_111] : memref<32x80x128xf32, #tpu.memory_space<vmem>>, vector<1x80x128xf32>
    %get3A_113 = vector.shape_cast %get3A_112 : vector<1x80x128xf32> to vector<80x128xf32>
    %add3A_114 = arith.addf %add3A_108, %get3A_113 : vector<80x128xf32>
    %get3A_115 = arith.constant 19 : index
    %get3A_116 = arith.constant 0 : index
    %get3A_117 = arith.constant 0 : index
    %get3A_118 = vector.load %arg1[%get3A_115, %get3A_116, %get3A_117] : memref<32x80x128xf32, #tpu.memory_space<vmem>>, vector<1x80x128xf32>
    %get3A_119 = vector.shape_cast %get3A_118 : vector<1x80x128xf32> to vector<80x128xf32>
    %add3A_120 = arith.addf %add3A_114, %get3A_119 : vector<80x128xf32>
    %get3A_121 = arith.constant 20 : index
    %get3A_122 = arith.constant 0 : index
    %get3A_123 = arith.constant 0 : index
    %get3A_124 = vector.load %arg1[%get3A_121, %get3A_122, %get3A_123] : memref<32x80x128xf32, #tpu.memory_space<vmem>>, vector<1x80x128xf32>
    %get3A_125 = vector.shape_cast %get3A_124 : vector<1x80x128xf32> to vector<80x128xf32>
    %add3A_126 = arith.addf %add3A_120, %get3A_125 : vector<80x128xf32>
    %get3A_127 = arith.constant 21 : index
    %get3A_128 = arith.constant 0 : index
    %get3A_129 = arith.constant 0 : index
    %get3A_130 = vector.load %arg1[%get3A_127, %get3A_128, %get3A_129] : memref<32x80x128xf32, #tpu.memory_space<vmem>>, vector<1x80x128xf32>
    %get3A_131 = vector.shape_cast %get3A_130 : vector<1x80x128xf32> to vector<80x128xf32>
    %add3A_132 = arith.addf %add3A_126, %get3A_131 : vector<80x128xf32>
    %get3A_133 = arith.constant 22 : index
    %get3A_134 = arith.constant 0 : index
    %get3A_135 = arith.constant 0 : index
    %get3A_136 = vector.load %arg1[%get3A_133, %get3A_134, %get3A_135] : memref<32x80x128xf32, #tpu.memory_space<vmem>>, vector<1x80x128xf32>
    %get3A_137 = vector.shape_cast %get3A_136 : vector<1x80x128xf32> to vector<80x128xf32>
    %add3A_138 = arith.addf %add3A_132, %get3A_137 : vector<80x128xf32>
    %get3A_139 = arith.constant 23 : index
    %get3A_140 = arith.constant 0 : index
    %get3A_141 = arith.constant 0 : index
    %get3A_142 = vector.load %arg1[%get3A_139, %get3A_140, %get3A_141] : memref<32x80x128xf32, #tpu.memory_space<vmem>>, vector<1x80x128xf32>
    %get3A_143 = vector.shape_cast %get3A_142 : vector<1x80x128xf32> to vector<80x128xf32>
    %add3A_144 = arith.addf %add3A_138, %get3A_143 : vector<80x128xf32>
    %get3A_145 = arith.constant 24 : index
    %get3A_146 = arith.constant 0 : index
    %get3A_147 = arith.constant 0 : index
    %get3A_148 = vector.load %arg1[%get3A_145, %get3A_146, %get3A_147] : memref<32x80x128xf32, #tpu.memory_space<vmem>>, vector<1x80x128xf32>
    %get3A_149 = vector.shape_cast %get3A_148 : vector<1x80x128xf32> to vector<80x128xf32>
    %add3A_150 = arith.addf %add3A_144, %get3A_149 : vector<80x128xf32>
    %get3A_151 = arith.constant 25 : index
    %get3A_152 = arith.constant 0 : index
    %get3A_153 = arith.constant 0 : index
    %get3A_154 = vector.load %arg1[%get3A_151, %get3A_152, %get3A_153] : memref<32x80x128xf32, #tpu.memory_space<vmem>>, vector<1x80x128xf32>
    %get3A_155 = vector.shape_cast %get3A_154 : vector<1x80x128xf32> to vector<80x128xf32>
    %add3A_156 = arith.addf %add3A_150, %get3A_155 : vector<80x128xf32>
    %get3A_157 = arith.constant 26 : index
    %get3A_158 = arith.constant 0 : index
    %get3A_159 = arith.constant 0 : index
    %get3A_160 = vector.load %arg1[%get3A_157, %get3A_158, %get3A_159] : memref<32x80x128xf32, #tpu.memory_space<vmem>>, vector<1x80x128xf32>
    %get3A_161 = vector.shape_cast %get3A_160 : vector<1x80x128xf32> to vector<80x128xf32>
    %add3A_162 = arith.addf %add3A_156, %get3A_161 : vector<80x128xf32>
    %get3A_163 = arith.constant 27 : index
    %get3A_164 = arith.constant 0 : index
    %get3A_165 = arith.constant 0 : index
    %get3A_166 = vector.load %arg1[%get3A_163, %get3A_164, %get3A_165] : memref<32x80x128xf32, #tpu.memory_space<vmem>>, vector<1x80x128xf32>
    %get3A_167 = vector.shape_cast %get3A_166 : vector<1x80x128xf32> to vector<80x128xf32>
    %add3A_168 = arith.addf %add3A_162, %get3A_167 : vector<80x128xf32>
    %get3A_169 = arith.constant 28 : index
    %get3A_170 = arith.constant 0 : index
    %get3A_171 = arith.constant 0 : index
    %get3A_172 = vector.load %arg1[%get3A_169, %get3A_170, %get3A_171] : memref<32x80x128xf32, #tpu.memory_space<vmem>>, vector<1x80x128xf32>
    %get3A_173 = vector.shape_cast %get3A_172 : vector<1x80x128xf32> to vector<80x128xf32>
    %add3A_174 = arith.addf %add3A_168, %get3A_173 : vector<80x128xf32>
    %get3A_175 = arith.constant 29 : index
    %get3A_176 = arith.constant 0 : index
    %get3A_177 = arith.constant 0 : index
    %get3A_178 = vector.load %arg1[%get3A_175, %get3A_176, %get3A_177] : memref<32x80x128xf32, #tpu.memory_space<vmem>>, vector<1x80x128xf32>
    %get3A_179 = vector.shape_cast %get3A_178 : vector<1x80x128xf32> to vector<80x128xf32>
    %add3A_180 = arith.addf %add3A_174, %get3A_179 : vector<80x128xf32>
    %get3A_181 = arith.constant 30 : index
    %get3A_182 = arith.constant 0 : index
    %get3A_183 = arith.constant 0 : index
    %get3A_184 = vector.load %arg1[%get3A_181, %get3A_182, %get3A_183] : memref<32x80x128xf32, #tpu.memory_space<vmem>>, vector<1x80x128xf32>
    %get3A_185 = vector.shape_cast %get3A_184 : vector<1x80x128xf32> to vector<80x128xf32>
    %add3A_186 = arith.addf %add3A_180, %get3A_185 : vector<80x128xf32>
    %get3A_187 = arith.constant 31 : index
    %get3A_188 = arith.constant 0 : index
    %get3A_189 = arith.constant 0 : index
    %get3A_190 = vector.load %arg1[%get3A_187, %get3A_188, %get3A_189] : memref<32x80x128xf32, #tpu.memory_space<vmem>>, vector<1x80x128xf32>
    %get3A_191 = vector.shape_cast %get3A_190 : vector<1x80x128xf32> to vector<80x128xf32>
    %add3A_192 = arith.addf %add3A_186, %get3A_191 : vector<80x128xf32>
    %get3A_193 = arith.constant 0 : index
    %get3A_194 = arith.constant 0 : index
    %get3A_195 = vector.load %arg3[%get3A_193, %get3A_194] : memref<80x128xf32, #tpu.memory_space<vmem>>, vector<80x128xf32>
    %mul3A = arith.mulf %get3A_195, %add3A_192 : vector<80x128xf32>
    %get3A_196 = arith.constant 0 : index
    %get3A_197 = vector.load %arg4[%get3A_196] : memref<1xf32, #tpu.memory_space<vmem>>, vector<1xf32>
    %broadcast_in_dim3A = vector.shape_cast %get3A_197 : vector<1xf32> to vector<1x1xf32>
    %add3A_198 = vector.broadcast %broadcast_in_dim3A : vector<1x1xf32> to vector<80x128xf32>
    %add3A_199 = arith.addf %mul3A, %add3A_198 : vector<80x128xf32>
    %swap3A = arith.constant 0 : index
    %swap3A_200 = arith.constant 0 : index
    %swap3A_201 = vector.load %arg5[%swap3A, %swap3A_200] : memref<80x128xf32, #tpu.memory_space<vmem>>, vector<80x128xf32>
    tpu.vector_store %arg5[%swap3A, %swap3A_200], %add3A_199 {strides = array<i32>} : memref<80x128xf32, #tpu.memory_space<vmem>>, vector<80x128xf32>,
    return
  }
  func.func @transform_0(%arg0: i32) -> (i32, i32, i32) {
    %c0_i32 = arith.constant 0 : i32
    %c0_i32_0 = arith.constant 0 : i32
    %c0_i32_1 = arith.constant 0 : i32
    %c0_i32_2 = arith.constant 0 : i32
    return %c0_i32, %c0_i32_0, %c0_i32_1 : i32, i32, i32
  }
  func.func @transform_1(%arg0: i32) -> (i32, i32) {
    %c0_i32 = arith.constant 0 : i32
    %c0_i32_0 = arith.constant 0 : i32
    %c0_i32_1 = arith.constant 0 : i32
    return %c0_i32, %c0_i32_0 : i32, i32
  }
  func.func @transform_2(%arg0: i32) -> (i32, i32) {
    %c0_i32 = arith.constant 0 : i32
    %c0_i32_0 = arith.constant 0 : i32
    %c0_i32_1 = arith.constant 0 : i32
    return %c0_i32, %c0_i32_0 : i32, i32
  }
  func.func @transform_3(%arg0: i32) -> i32 {
    %c0_i32 = arith.constant 0 : i32
    %c0_i32_0 = arith.constant 0 : i32
    return %c0_i32 : i32
  }
  func.func @transform_4(%arg0: i32) -> (i32, i32) {
    %c0_i32 = arith.constant 0 : i32
    %c0_i32_0 = arith.constant 0 : i32
    %c0_i32_1 = arith.constant 0 : i32
    return %c0_i32, %c0_i32_0 : i32, i32
  }
}

</mosaic_0001>

<sc_bundles>
// kernel: kernel.10.cloned.1.call-start
scs
__scs_entry_jumppad:
0x0: {  	(pc) =	sbr.rel $0x88, $3  }
0x1: {  	(tag) =	ssettag $0x0;
	lr =	simm.s32 $0x1  }
0x2: {  	[smem:$0x3F9B] =	sst lr;
	_ =	strace $0xD0000000  }
0x3: {  	_ = 	snop  }
0x4: {  	_ = 	snop  }
0x5: {  	_ = 	snop  }
0x6: {  	_ = 	snop  }
0x7: {  	_ = 	snop  }
__scs_overlays_trampoline_lowered:
0x8: {  	[smem:$0x3FAA] =	sst s0  }
0x9: {  	[smem:$0x3FAB] =	sst s1  }
0xa: {  	[smem:$0x3FAC] =	sst s2  }
0xb: {  	[smem:$0x3FAD] =	sst s3  }
0xc: {  	[smem:$0x3FAE] =	sst s4  }
0xd: {  	[smem:$0x3FAF] =	sst s5  }
0xe: {  	[smem:$0x3FB0] =	sst s6  }
0xf: {  	[smem:$0x3FB1] =	sst s7  }
0x10: {  	[smem:$0x3FB2] =	sst s8  }
0x11: {  	[smem:$0x3FB3] =	sst s9;
	s0 =	simm.s32 @!p0 $0x0  }
0x12: {  	s1 =	sld [smem:$0x3F99];
	s0 =	simm.s32 @p0 $0x1  }
0x13: {  	[smem:$0x3FB4] =	sst s0;
	s0 =	simm.s32 @!p1 $0x0  }
0x14: {  	s2 =	sld [smem:$0x3F98];
	s0 =	simm.s32 @p1 $0x1  }
0x15: {  	[smem:$0x3FB5] =	sst s0;
	s0 =	simm.s32 @!p2 $0x0  }
0x16: {  	s3 =	sld [smem:$0x3FDB];
	s0 =	simm.s32 @p2 $0x1  }
0x17: {  	s4 =	simm.s32 $0x1BF5;
	[smem:$0x3FB7] =	sst s0  }
0x18: {  	s0 =	sld [smem:$0x3F9A];
	_ =	swait.ge [sflag:s4], $0x0  }
0x19: {  	s7 =	sld [smem:$0x3F9B]  }
0x1a: {  	s8 =	sadd.s32 $0xFFFFE003, lr  }
0x1b: {  	s9 =	sadd.s32 $0xFFFFFEF7, lr;
	s5 =	simm.s32 $0xFFFFFFFF;
	p2 =	slt.u32 s8, $0xFFFFF086  }
0x1c: {  	p1 =	slt.u32 s9, $0xF7A;
	s5 =	simm.s32 @!p2 $0x0  }
0x1d: {  	s5 =	simm.s32 @p1 $0x1;
	p0 =	seq.s32 s7, s2  }
0x1e: {  	s7 =	smul.u32 @!p0 $0xF7A, s2;
	p2 =	seq.s32 @!p0 s5, $0x0  }
0x1f: {  	s9 =	smul.u32 $0xF7A, s1;
	s8 =	simm.s32 @!p0 $0x1BF5;
	p2 =	por !p2, p0  }
0x20: {  	[sflag:s8] =	ssyncset.s32 @!p0 $0xFFFFF086;
	s6 =	sadd.s32 @!p0 s3, s7;
	s7 =	simm.s32 @!p0 $0x108  }
0x21: {  	s3 =	sadd.s32 s3, s9;
	s6 =	sadd.s32 @!p0 $0x88, s6;
	s7 =	simm.s32 @p2 $0x1082  }
0x22: {  	[simem:s7], [sflag:s8] =	dma.local @!p0 [hbm:s6], $0xF7A  }
0x23: {  	s9 =	sor.u32 $0xD0000000, s2;
	s6 =	simm.s32 $0x108;
	_ =	swait.ge @!p0 [sflag:s8], $0x0  }
0x24: {  	s3 =	sadd.s32 $0x88, s3;
	s6 =	simm.s32 @!p1 $0x1082;
	[sflag:s4] =	ssyncset.s32 $0xFFFFF086  }
0x25: {  	[simem:s6], [sflag:s4] =	dma.local [hbm:s3], $0xF7A  }
0x26: {  	[smem:$0x3F9B] =	sst s1;
	(tag) =	ssettag s2;
	_ =	strace s9  }
0x27: {  	s1 =	sld [smem:$0x3FAB]  }
0x28: {  	s2 =	sld [smem:$0x3FAC]  }
0x29: {  	s4 =	sld [smem:$0x3FAE]  }
0x2a: {  	p0 =	seq.s32 s5, $0x0;
	s5 =	sld [smem:$0x3FAF]  }
0x2b: {  	s6 =	sld [smem:$0x3FB0]  }
0x2c: {  	s7 =	sld [smem:$0x3FB1]  }
0x2d: {  	s3 =	simm.s32 $0x108;
	s8 =	sld [smem:$0x3FB2]  }
0x2e: {  	s3 =	simm.s32 @!p0 $0x1082;
	s9 =	sld [smem:$0x3FB3]  }
0x2f: {  	lr =	sadd.s32 s0, s3;
	s0 =	sld [smem:$0x3FAA]  }
0x30: {  	s3 =	sld [smem:$0x3FAD]  }
0x31: {  	[smem:$0x3FB6] =	sst s10  }
0x32: {  	s10 =	sld [smem:$0x3FB4];
	_ =	sdelay $0x3  }
0x33: {  	p0 =	seq.s32 s10, $0x1;
	s10 =	sld [smem:$0x3FB6];
	_ =	sdelay $0x3  }
0x34: {  	[smem:$0x3FB6] =	sst s10  }
0x35: {  	s10 =	sld [smem:$0x3FB5];
	_ =	sdelay $0x3  }
0x36: {  	p1 =	seq.s32 s10, $0x1;
	s10 =	sld [smem:$0x3FB6];
	_ =	sdelay $0x3  }
0x37: {  	[smem:$0x3FB6] =	sst s10  }
0x38: {  	s10 =	sld [smem:$0x3FB7]  }
0x39: {  	_ = 	snop;
	(pc) =	sbr.ind lr, $3  }
0x3a: {  	_ = 	snop  }
0x3b: {  	_ = 	snop  }
0x3c: {  	p2 =	seq.s32 s10, $0x1;
	s10 =	sld [smem:$0x3FB6]  }
0x3d: {  	_ =	shalt  }
0x3e: {  	_ =	shalt  }
0x3f: {  	_ =	shalt  }
0x40: {  	_ =	shalt  }
0x41: {  	_ =	shalt  }
0x42: {  	_ =	shalt  }
0x43: {  	_ =	shalt  }
0x44: {  	_ =	shalt  }
0x45: {  	_ =	shalt  }
0x46: {  	_ =	shalt  }
0x47: {  	_ =	shalt  }
0x48: {  	_ =	shalt  }
0x49: {  	_ =	shalt  }
0x4a: {  	_ =	shalt  }
0x4b: {  	_ =	shalt  }
0x4c: {  	_ =	shalt  }
0x4d: {  	_ =	shalt  }
0x4e: {  	_ =	shalt  }
0x4f: {  	_ =	shalt  }
0x50: {  	_ =	shalt  }
0x51: {  	_ =	shalt  }
0x52: {  	_ =	shalt  }
0x53: {  	_ =	shalt  }
0x54: {  	_ =	shalt  }
0x55: {  	_ =	shalt  }
0x56: {  	_ =	shalt  }
0x57: {  	_ =	shalt  }
0x58: {  	_ =	shalt  }
0x59: {  	_ =	shalt  }
0x5a: {  	_ =	shalt  }
0x5b: {  	_ =	shalt  }
0x5c: {  	_ =	shalt  }
0x5d: {  	_ =	shalt  }
0x5e: {  	_ =	shalt  }
0x5f: {  	_ =	shalt  }
0x60: {  	_ =	shalt  }
0x61: {  	_ =	shalt  }
0x62: {  	_ =	shalt  }
0x63: {  	_ =	shalt  }
0x64: {  	_ =	shalt  }
0x65: {  	_ =	shalt  }
0x66: {  	_ =	shalt  }
0x67: {  	_ =	shalt  }
0x68: {  	_ =	shalt  }
0x69: {  	_ =	shalt  }
0x6a: {  	_ =	shalt  }
0x6b: {  	_ =	shalt  }
0x6c: {  	_ =	shalt  }
0x6d: {  	_ =	shalt  }
0x6e: {  	_ =	shalt  }
0x6f: {  	_ =	shalt  }
0x70: {  	_ =	shalt  }
0x71: {  	_ =	shalt  }
0x72: {  	_ =	shalt  }
0x73: {  	_ =	shalt  }
0x74: {  	_ =	shalt  }
0x75: {  	_ =	shalt  }
0x76: {  	_ =	shalt  }
0x77: {  	_ =	shalt  }
0x78: {  	_ =	shalt  }
0x79: {  	_ =	shalt  }
0x7a: {  	_ =	shalt  }
0x7b: {  	_ =	shalt  }
0x7c: {  	_ =	shalt  }
0x7d: {  	_ =	shalt  }
0x7e: {  	_ =	shalt  }
0x7f: {  	_ =	shalt  }
0x80: {  	_ =	shalt  }
0x81: {  	_ =	shalt  }
0x82: {  	_ =	shalt  }
0x83: {  	_ =	shalt  }
0x84: {  	_ =	shalt  }
0x85: {  	_ =	shalt  }
0x86: {  	_ =	shalt  }
0x87: {  	_ =	shalt  }
.Lfunc_end0:
.L_simem_size_0:
called_computation_lowered:
.L_overlay_start_0:
0x88: {  	s2 =	sld [smem:$0x3FD9]  }
0x89: {  	s3 =	sld [smem:$0x3FFE];
	_ =	sdelay $0x1  }
0x8a: {  	s1 =	srdreg.scid  }
0x8b: {  	s0 =	sand.u32 $0x1, s1  }
0x8c: {  	s17 =	sshll.u32 s0, $0xA;
	s2 =	sadd.s32 s3, s2  }
0x8d: {  	s2 =	sadd.s32 s2, s17  }
0x8e: {  	[smem:$0x3FC2] =	sst s2  }
0x8f: {  	_ = 	snop  }
0x90: {  	s2 =	sld [smem:$0x3FD0];
	(tm) =	ssettm $0x1  }
0x91: {  	s18 =	sld [smem:$0x3FFB];
	_ =	sdelay $0x3  }
0x92: {  	_ =	strace s18  }
0x93: {  	s3 =	sld [smem:$0x3FFC];
	_ =	sdelay $0x3  }
0x94: {  	_ =	strace s3  }
0x95: {  	s3 =	sld [smem:$0x3FFD];
	_ =	sdelay $0x3  }
0x96: {  	_ =	strace s3  }
0x97: {  	_ =	strace $0x8FFFFFFF  }
0x98: {  	s19 =	sld [smem:$0x3FDB];
	_ =	sdelay $0x1  }
0x99: {  	s4 =	simm.s32 $_scs_section_size  }
0x9a: {  	s5 =	simm.s32 $_size__tile_overlayer_lowered;
	s6 =	simm.s32 $_tile_overlayer_lowered  }
0x9b: {  	s22 =	simm.s32 $0x1BFF;
	s21 =	sshll.u32 s6, $0x1;
	s3 =	sadd.s32 s4, s19  }
0x9c: {  	s7 =	simm.s32 $0x0;
	s20 =	sshll.u32 s5, $0x1;
	s5 =	sadd.s32 s21, s3  }
0x9d: {  	[timem:s7], [sflag:s22] =	dma.local [hbm:s5], s20  }
0x9e: {  	_ =	swait.ge [sflag:s22], s20  }
0x9f: {  	s4 =	ssub.s32 $0x0, s20;
	[sflag:s22] =	ssyncset.done $0x0  }
0xa0: {  	[sflag:s22] =	ssyncadd.s32 s4;
	_ =	sdelay $0x1  }
0xa1: {  	s23 =	simm.s32 $0x1B8B  }
0xa2: {  	_ =	swait.ge [sflag:s23], $0x1  }
0xa3: {  	[sflag:s23] =	ssyncset.done $0x0  }
0xa4: {  	s25 =	simm.s32 $0x1B8E;
	s24 =	sld [smem:$0x3FFE];
	[sflag:s23] =	ssyncadd.s32 $0xFFFFFFFF  }
0xa5: {  	s26 =	simm.s32 $execute0_lowered;
	[smem:$0x3FD2] =	sst s25  }
0xa6: {  	s5 =	sshll.u32 s26, $0x1;
	_ =	strace $0x80000046;
	[dreg:$0x1] =	wrdreg $0xFFFFFFFF  }
0xa7: {  	s28 =	simm.s32 $_size_execute0_lowered;
	s3 =	sadd.s32 s3, s5;
	[dreg:$0x0] =	wrdreg $0x0  }
0xa8: {  	s5 =	sshll.u32 s28, $0x1;
	[dreg:$0x2] =	wrdreg s3  }
0xa9: {  	[dreg:$0x3] =	wrdreg s5  }
0xaa: {  	[dreg:$0x4] =	wrdreg $0xC0  }
0xab: {  	_ =	task [dreg:s7], $0x5FFFF  }
0xac: {  	[dreg:$0x1] =	wrdreg $0xFFFFFFFF  }
0xad: {  	[dreg:$0x0] =	wrdreg $0x60  }
0xae: {  	[dreg:$0x2] =	wrdreg s24  }
0xaf: {  	[dreg:$0x3] =	wrdreg s2  }
0xb0: {  	[dreg:$0x4] =	wrdreg $0x9  }
0xb1: {  	_ =	task.clear_ibuf [dreg:s7], $0x5FFFF;
	_ =	strace $0x90000046  }
0xb2: {  	s29 =	simm.s32 $0x9;
	_ =	strace $0x80000048  }
0xb3: {  	_ =	swait.ge [sflag:s29], $0x1  }
0xb4: {  	[sflag:s29] =	ssyncadd.s32 $0xFFFFFFFF  }
0xb5: {  	_ =	strace $0x90000048  }
0xb6: {  	_ =	sfence  }
0xb7: {  	s30 =	sld [smem:$0x0];
	_ =	sdelay $0x2  }
0xb8: {  	s31 =	sshll.u32 s1, $0xD;
	s1 =	sshrl.u32 s1, $0x2  }
0xb9: {  	s3 =	sand.u32 $0x4000, s31;
	s1 =	sadd.s32 s1, s30  }
0xba: {  	s0 =	sor.u32 s3, s0;
	s1 =	sshll.u32 s1, $0x11  }
0xbb: {  	s0 =	sor.u32 s1, s0  }
0xbc: {  	s0 =	sadd.s32 $0x8F2B, s0  }
0xbd: {  	[sflag:s0] =	ssyncadd.remote.s32 $0x1  }
0xbe: {  	_ =	sfence.sel $0xFFFF  }
0xbf: {  	[dreg:$0x0] =	wrdreg $0xFFFFFFFF;
	(pc) =	sbr.abs _section_cstart, $3  }
0xc0: {  	[dreg:$0x1] =	wrdreg $0xFFFFFFFF  }
0xc1: {  	_ =	task.clear_ibuf [dreg:s7], $0x2FFFF;
	_ =	strace $0x9FFFFFFF  }
0xc2: {  	(tm) =	ssettm $0x7FFFFFFF  }
0xc3: {  	_ =	shalt  }
tec
execute0_lowered:
.L_overlay_start_1:
0x0: {  	(tag) =	ssettag $0x1  }
0x1: {  	s0 =	srdreg.scid  }
0x2: {  	s5 =	sand.u32 $0x1, s0  }
0x3: {  	s4 =	rddreg [dreg:$0x0];
	s1 =	stileid.u32;
	s3 =	sshll.u32 s5, $0x4  }
0x4: {  	s2 =	rddreg [dreg:$0x1];
	s6 =	sor.u32 s1, s3  }
0x5: {  	s8 =	simm.s32 $0x1;
	s9 =	simm.s32 $0x0;
	s6 =	smul.u32 $0x500, s6  }
0x6: {  	s0 =	rddreg [dreg:$0x2];
	s5 =	ssub.s32 $0x2, s5;
	s3 =	simm.s32 $0x0  }
0x7: {  	s7 =	sshrl.u32 s5, $0x1;
	[smem:$0x7FF] =	sst s3;
	s6 =	sadd.s32 s6, s4  }
0x8: {  	s7 =	ssub.s32 s5, s7;
	_ =	strace $0x80000047;
	s4 =	sadd.s32 $0xB600, s6  }
0x9: {  	v0 =	vimm.f32 $1.000000000e+00;
	s5 =	sadd.s32 $0x15600, s6;
	s6 =	smax.u32 s7, $0x1;
	s7 =	simm.s32 $0x2800  }
.LBB2_1:
0xa: {  	[tilespmem:s7], [sflag:$0x1] =	stream.linear.gather [hbm4b:s2+s3], $0x2800, $0x38;
	[tilespmem:$0x5000] =	vst v63  }
0xb: {  	_ =	swait.ge [sflag:s8], $0x2800  }
0xc: {  	[sflag:s8] =	ssyncset.done $0x0  }
0xd: {  	[sflag:s8] =	ssyncadd.s32 $0xFFFFD800  }
0xe: {  	[tilespmem:s3], [sflag:$0x1] =	stream.linear.gather [hbm4b:s4+s3], $0x2800, $0x38;
	[tilespmem:$0x5000] =	vst v63  }
0xf: {  	_ =	swait.ge [sflag:s8], $0x2800  }
0x10: {  	[sflag:s8] =	ssyncset.done $0x0  }
0x11: {  	s10 =	simm.s32 $0x1C0;
	[sflag:s8] =	ssyncadd.s32 $0xFFFFD800  }
.LBB2_2:
0x12: {  	s11 =	sshra.s32 s10, $0x2  }
0x13: {  	v1 =	vld [tilespmem:s11+$0xFFFFFF90];
	_ =	sdelay $0x7  }
0x14: {  	[tilespmem:v1+s7+$0x0] =	vst.idx.add.f32.msk $0xffff, v0  }
0x15: {  	v1 =	vld [tilespmem:s11+$0xFFFFFFA0];
	_ =	sdelay $0x7  }
0x16: {  	[tilespmem:v1+s7+$0x0] =	vst.idx.add.f32.msk $0xffff, v0  }
0x17: {  	v1 =	vld [tilespmem:s11+$0xFFFFFFB0];
	_ =	sdelay $0x7  }
0x18: {  	[tilespmem:v1+s7+$0x0] =	vst.idx.add.f32.msk $0xffff, v0  }
0x19: {  	v1 =	vld [tilespmem:s11+$0xFFFFFFC0];
	_ =	sdelay $0x7  }
0x1a: {  	[tilespmem:v1+s7+$0x0] =	vst.idx.add.f32.msk $0xffff, v0  }
0x1b: {  	v1 =	vld [tilespmem:s11+$0xFFFFFFD0];
	_ =	sdelay $0x7  }
0x1c: {  	[tilespmem:v1+s7+$0x0] =	vst.idx.add.f32.msk $0xffff, v0  }
0x1d: {  	v1 =	vld [tilespmem:s11+$0xFFFFFFE0];
	_ =	sdelay $0x7  }
0x1e: {  	[tilespmem:v1+s7+$0x0] =	vst.idx.add.f32.msk $0xffff, v0  }
0x1f: {  	v1 =	vld [tilespmem:s11+$0xFFFFFFF0];
	_ =	sdelay $0x7  }
0x20: {  	[tilespmem:v1+s7+$0x0] =	vst.idx.add.f32.msk $0xffff, v0  }
0x21: {  	v1 =	vld [tilespmem:s11+$0x0];
	_ =	sdelay $0x2  }
0x22: {  	p0 =	sne.s32 s10, $0x9FC0  }
.Ltmp0:
0x23: {  	_ = 	snop;
	(pc) =	sbr.rel @p0 .LBB2_2-.Ltmp0, $2  }
0x24: {  	_ =	sdelay $0x2  }
0x25: {  	s10 =	sadd.s32 $0x200, s10;
	[tilespmem:v1+s7+$0x0] =	vst.idx.add.f32.msk $0xffff, v0  }
0x26: {  	s9 =	sadd.s32 $0x1, s9  }
0x27: {  	p0 =	sne.s32 s9, s6  }
.Ltmp1:
0x28: {  	_ = 	snop;
	(pc) =	sbr.rel @p0 .LBB2_1-.Ltmp1, $4  }
0x29: {  	[hbm4b:s5+s3] =	stream.linear.scatter [tilespmem:s7], [sflag:$0x1], $0x2800, $0x38;
	[tilespmem:$0x5000] =	vst v63  }
0x2a: {  	_ =	swait.ge [sflag:s8], $0x2800  }
0x2b: {  	[sflag:s8] =	ssyncset.done $0x0  }
0x2c: {  	[sflag:s8] =	ssyncadd.s32 $0xFFFFD800  }
0x2d: {  	_ =	sfence.sel $0x180000  }
0x2e: {  	[bflag:$0x0] =	sbarrier.arrive $0xFFFF  }
0x2f: {  	p0 =	sne.s32 s1, $0x0;
	_ =	strace $0x90000047  }
0x30: {  	s0 =	sadd.s32 @!p0 $0x100000, s0;
	[bflag:$0x2] =	sbarrier.arrive $0xFFFF  }
0x31: {  	[sflag:s0] =	ssyncadd.tile.s32 @!p0 $0x1;
	_ =	shalt  }
.Lfunc_end2:
_tile_overlayer_lowered:
.L_overlay_start_2:
0x32: {  	(tag) =	ssettag $0x2  }
0x33: {  	s0 =	rddreg [dreg:$0x0];
	s2 =	stileid.u32  }
0x34: {  	s1 =	rddreg [dreg:$0x1];
	p0 =	sne.s32 s2, $0x0  }
0x35: {  	s3 =	rddreg [dreg:$0x2];
	[bflag:$0x3] =	sbarrier.arrive $0xFFFF;
	s2 =	simm.s32 @!p0 $0x1C01  }
0x36: {  	[timem:s3], [sflag:s2] =	dma.local @!p0 [hbm:s0], s1  }
0x37: {  	s0 =	simm.s32 @!p0 $0x1  }
0x38: {  	_ =	swait.ge @!p0 [sflag:s0], s1  }
0x39: {  	s1 =	ssub.s32 @!p0 $0x0, s1;
	[sflag:s0] =	ssyncset.done @!p0 $0x0  }
0x3a: {  	[sflag:s0] =	ssyncadd.s32 @!p0 s1  }
0x3b: {  	[bflag:$0x3] =	sbarrier.arrive $0xFFFF  }
0x3c: {  	_ =	shalt  }

// kernel: kernel.13.cloned.1.call-start
scs
__scs_entry_jumppad:
0x0: {  	(pc) =	sbr.rel $0x88, $3  }
0x1: {  	(tag) =	ssettag $0x0;
	lr =	simm.s32 $0x1  }
0x2: {  	[smem:$0x3F9B] =	sst lr;
	_ =	strace $0xD0000000  }
0x3: {  	_ = 	snop  }
0x4: {  	_ = 	snop  }
0x5: {  	_ = 	snop  }
0x6: {  	_ = 	snop  }
0x7: {  	_ = 	snop  }
__scs_overlays_trampoline_lowered:
0x8: {  	[smem:$0x3FAA] =	sst s0  }
0x9: {  	[smem:$0x3FAB] =	sst s1  }
0xa: {  	[smem:$0x3FAC] =	sst s2  }
0xb: {  	[smem:$0x3FAD] =	sst s3  }
0xc: {  	[smem:$0x3FAE] =	sst s4  }
0xd: {  	[smem:$0x3FAF] =	sst s5  }
0xe: {  	[smem:$0x3FB0] =	sst s6  }
0xf: {  	[smem:$0x3FB1] =	sst s7  }
0x10: {  	[smem:$0x3FB2] =	sst s8  }
0x11: {  	[smem:$0x3FB3] =	sst s9;
	s0 =	simm.s32 @!p0 $0x0  }
0x12: {  	s1 =	sld [smem:$0x3F99];
	s0 =	simm.s32 @p0 $0x1  }
0x13: {  	[smem:$0x3FB4] =	sst s0;
	s0 =	simm.s32 @!p1 $0x0  }
0x14: {  	s2 =	sld [smem:$0x3F98];
	s0 =	simm.s32 @p1 $0x1  }
0x15: {  	[smem:$0x3FB5] =	sst s0;
	s0 =	simm.s32 @!p2 $0x0  }
0x16: {  	s3 =	sld [smem:$0x3FDB];
	s0 =	simm.s32 @p2 $0x1  }
0x17: {  	s4 =	simm.s32 $0x1BF5;
	[smem:$0x3FB7] =	sst s0  }
0x18: {  	s0 =	sld [smem:$0x3F9A];
	_ =	swait.ge [sflag:s4], $0x0  }
0x19: {  	s7 =	sld [smem:$0x3F9B]  }
0x1a: {  	s8 =	sadd.s32 $0xFFFFE003, lr  }
0x1b: {  	s9 =	sadd.s32 $0xFFFFFEF7, lr;
	s5 =	simm.s32 $0xFFFFFFFF;
	p2 =	slt.u32 s8, $0xFFFFF086  }
0x1c: {  	p1 =	slt.u32 s9, $0xF7A;
	s5 =	simm.s32 @!p2 $0x0  }
0x1d: {  	s5 =	simm.s32 @p1 $0x1;
	p0 =	seq.s32 s7, s2  }
0x1e: {  	s7 =	smul.u32 @!p0 $0xF7A, s2;
	p2 =	seq.s32 @!p0 s5, $0x0  }
0x1f: {  	s9 =	smul.u32 $0xF7A, s1;
	s8 =	simm.s32 @!p0 $0x1BF5;
	p2 =	por !p2, p0  }
0x20: {  	[sflag:s8] =	ssyncset.s32 @!p0 $0xFFFFF086;
	s6 =	sadd.s32 @!p0 s3, s7;
	s7 =	simm.s32 @!p0 $0x108  }
0x21: {  	s3 =	sadd.s32 s3, s9;
	s6 =	sadd.s32 @!p0 $0x88, s6;
	s7 =	simm.s32 @p2 $0x1082  }
0x22: {  	[simem:s7], [sflag:s8] =	dma.local @!p0 [hbm:s6], $0xF7A  }
0x23: {  	s9 =	sor.u32 $0xD0000000, s2;
	s6 =	simm.s32 $0x108;
	_ =	swait.ge @!p0 [sflag:s8], $0x0  }
0x24: {  	s3 =	sadd.s32 $0x88, s3;
	s6 =	simm.s32 @!p1 $0x1082;
	[sflag:s4] =	ssyncset.s32 $0xFFFFF086  }
0x25: {  	[simem:s6], [sflag:s4] =	dma.local [hbm:s3], $0xF7A  }
0x26: {  	[smem:$0x3F9B] =	sst s1;
	(tag) =	ssettag s2;
	_ =	strace s9  }
0x27: {  	s1 =	sld [smem:$0x3FAB]  }
0x28: {  	s2 =	sld [smem:$0x3FAC]  }
0x29: {  	s4 =	sld [smem:$0x3FAE]  }
0x2a: {  	p0 =	seq.s32 s5, $0x0;
	s5 =	sld [smem:$0x3FAF]  }
0x2b: {  	s6 =	sld [smem:$0x3FB0]  }
0x2c: {  	s7 =	sld [smem:$0x3FB1]  }
0x2d: {  	s3 =	simm.s32 $0x108;
	s8 =	sld [smem:$0x3FB2]  }
0x2e: {  	s3 =	simm.s32 @!p0 $0x1082;
	s9 =	sld [smem:$0x3FB3]  }
0x2f: {  	lr =	sadd.s32 s0, s3;
	s0 =	sld [smem:$0x3FAA]  }
0x30: {  	s3 =	sld [smem:$0x3FAD]  }
0x31: {  	[smem:$0x3FB6] =	sst s10  }
0x32: {  	s10 =	sld [smem:$0x3FB4];
	_ =	sdelay $0x3  }
0x33: {  	p0 =	seq.s32 s10, $0x1;
	s10 =	sld [smem:$0x3FB6];
	_ =	sdelay $0x3  }
0x34: {  	[smem:$0x3FB6] =	sst s10  }
0x35: {  	s10 =	sld [smem:$0x3FB5];
	_ =	sdelay $0x3  }
0x36: {  	p1 =	seq.s32 s10, $0x1;
	s10 =	sld [smem:$0x3FB6];
	_ =	sdelay $0x3  }
0x37: {  	[smem:$0x3FB6] =	sst s10  }
0x38: {  	s10 =	sld [smem:$0x3FB7]  }
0x39: {  	_ = 	snop;
	(pc) =	sbr.ind lr, $3  }
0x3a: {  	_ = 	snop  }
0x3b: {  	_ = 	snop  }
0x3c: {  	p2 =	seq.s32 s10, $0x1;
	s10 =	sld [smem:$0x3FB6]  }
0x3d: {  	_ =	shalt  }
0x3e: {  	_ =	shalt  }
0x3f: {  	_ =	shalt  }
0x40: {  	_ =	shalt  }
0x41: {  	_ =	shalt  }
0x42: {  	_ =	shalt  }
0x43: {  	_ =	shalt  }
0x44: {  	_ =	shalt  }
0x45: {  	_ =	shalt  }
0x46: {  	_ =	shalt  }
0x47: {  	_ =	shalt  }
0x48: {  	_ =	shalt  }
0x49: {  	_ =	shalt  }
0x4a: {  	_ =	shalt  }
0x4b: {  	_ =	shalt  }
0x4c: {  	_ =	shalt  }
0x4d: {  	_ =	shalt  }
0x4e: {  	_ =	shalt  }
0x4f: {  	_ =	shalt  }
0x50: {  	_ =	shalt  }
0x51: {  	_ =	shalt  }
0x52: {  	_ =	shalt  }
0x53: {  	_ =	shalt  }
0x54: {  	_ =	shalt  }
0x55: {  	_ =	shalt  }
0x56: {  	_ =	shalt  }
0x57: {  	_ =	shalt  }
0x58: {  	_ =	shalt  }
0x59: {  	_ =	shalt  }
0x5a: {  	_ =	shalt  }
0x5b: {  	_ =	shalt  }
0x5c: {  	_ =	shalt  }
0x5d: {  	_ =	shalt  }
0x5e: {  	_ =	shalt  }
0x5f: {  	_ =	shalt  }
0x60: {  	_ =	shalt  }
0x61: {  	_ =	shalt  }
0x62: {  	_ =	shalt  }
0x63: {  	_ =	shalt  }
0x64: {  	_ =	shalt  }
0x65: {  	_ =	shalt  }
0x66: {  	_ =	shalt  }
0x67: {  	_ =	shalt  }
0x68: {  	_ =	shalt  }
0x69: {  	_ =	shalt  }
0x6a: {  	_ =	shalt  }
0x6b: {  	_ =	shalt  }
0x6c: {  	_ =	shalt  }
0x6d: {  	_ =	shalt  }
0x6e: {  	_ =	shalt  }
0x6f: {  	_ =	shalt  }
0x70: {  	_ =	shalt  }
0x71: {  	_ =	shalt  }
0x72: {  	_ =	shalt  }
0x73: {  	_ =	shalt  }
0x74: {  	_ =	shalt  }
0x75: {  	_ =	shalt  }
0x76: {  	_ =	shalt  }
0x77: {  	_ =	shalt  }
0x78: {  	_ =	shalt  }
0x79: {  	_ =	shalt  }
0x7a: {  	_ =	shalt  }
0x7b: {  	_ =	shalt  }
0x7c: {  	_ =	shalt  }
0x7d: {  	_ =	shalt  }
0x7e: {  	_ =	shalt  }
0x7f: {  	_ =	shalt  }
0x80: {  	_ =	shalt  }
0x81: {  	_ =	shalt  }
0x82: {  	_ =	shalt  }
0x83: {  	_ =	shalt  }
0x84: {  	_ =	shalt  }
0x85: {  	_ =	shalt  }
0x86: {  	_ =	shalt  }
0x87: {  	_ =	shalt  }
.Lfunc_end0:
.L_simem_size_0:
called_computation.1_lowered:
.L_overlay_start_0:
0x88: {  	s2 =	sld [smem:$0x3FD9]  }
0x89: {  	s3 =	sld [smem:$0x3FFE];
	_ =	sdelay $0x1  }
0x8a: {  	s1 =	srdreg.scid  }
0x8b: {  	s0 =	sand.u32 $0x1, s1  }
0x8c: {  	s16 =	sshll.u32 s0, $0xA;
	s2 =	sadd.s32 s3, s2  }
0x8d: {  	s2 =	sadd.s32 s2, s16  }
0x8e: {  	[smem:$0x3FC2] =	sst s2  }
0x8f: {  	_ = 	snop  }
0x90: {  	(tm) =	ssettm $0x1  }
0x91: {  	s17 =	sld [smem:$0x3FFB];
	_ =	sdelay $0x3  }
0x92: {  	_ =	strace s17  }
0x93: {  	s2 =	sld [smem:$0x3FFC];
	_ =	sdelay $0x3  }
0x94: {  	_ =	strace s2  }
0x95: {  	s2 =	sld [smem:$0x3FFD];
	_ =	sdelay $0x3  }
0x96: {  	_ =	strace s2  }
0x97: {  	_ =	strace $0x8FFFFFFF  }
0x98: {  	s18 =	sld [smem:$0x3FDB];
	_ =	sdelay $0x1  }
0x99: {  	s19 =	simm.s32 $_scs_section_size  }
0x9a: {  	s4 =	simm.s32 $_size__tile_overlayer_lowered;
	s5 =	simm.s32 $_tile_overlayer_lowered  }
0x9b: {  	s22 =	simm.s32 $0x1BFF;
	s21 =	sshll.u32 s5, $0x1;
	s2 =	sadd.s32 s19, s18  }
0x9c: {  	s6 =	simm.s32 $0x0;
	s20 =	sshll.u32 s4, $0x1;
	s4 =	sadd.s32 s21, s2  }
0x9d: {  	[timem:s6], [sflag:s22] =	dma.local [hbm:s4], s20  }
0x9e: {  	_ =	swait.ge [sflag:s22], s20  }
0x9f: {  	s3 =	ssub.s32 $0x0, s20;
	[sflag:s22] =	ssyncset.done $0x0  }
0xa0: {  	[sflag:s22] =	ssyncadd.s32 s3;
	_ =	sdelay $0x1  }
0xa1: {  	s23 =	simm.s32 $0x1B8B  }
0xa2: {  	_ =	swait.ge [sflag:s23], $0x1  }
0xa3: {  	[sflag:s23] =	ssyncset.done $0x0  }
0xa4: {  	s25 =	simm.s32 $0x1B8E;
	s24 =	sld [smem:$0x3FFE];
	[sflag:s23] =	ssyncadd.s32 $0xFFFFFFFF  }
0xa5: {  	s26 =	simm.s32 $execute0_lowered;
	[smem:$0x3FD2] =	sst s25  }
0xa6: {  	s4 =	sshll.u32 s26, $0x1;
	_ =	strace $0x80000049;
	[dreg:$0x1] =	wrdreg $0xFFFFFFFF  }
0xa7: {  	s28 =	simm.s32 $_size_execute0_lowered;
	s2 =	sadd.s32 s2, s4;
	[dreg:$0x0] =	wrdreg $0x0  }
0xa8: {  	s4 =	sshll.u32 s28, $0x1;
	[dreg:$0x2] =	wrdreg s2  }
0xa9: {  	[dreg:$0x3] =	wrdreg s4  }
0xaa: {  	[dreg:$0x4] =	wrdreg $0xC0  }
0xab: {  	_ =	task [dreg:s6], $0x5FFFF  }
0xac: {  	[dreg:$0x1] =	wrdreg $0xFFFFFFFF  }
0xad: {  	[dreg:$0x0] =	wrdreg $0x60  }
0xae: {  	[dreg:$0x2] =	wrdreg s24  }
0xaf: {  	[dreg:$0x3] =	wrdreg $0xA8000  }
0xb0: {  	[dreg:$0x4] =	wrdreg $0x9  }
0xb1: {  	_ =	task.clear_ibuf [dreg:s6], $0x5FFFF;
	_ =	strace $0x90000049  }
0xb2: {  	s29 =	simm.s32 $0x9;
	_ =	strace $0x8000004B  }
0xb3: {  	_ =	swait.ge [sflag:s29], $0x1  }
0xb4: {  	[sflag:s29] =	ssyncadd.s32 $0xFFFFFFFF  }
0xb5: {  	_ =	strace $0x9000004B  }
0xb6: {  	_ =	sfence  }
0xb7: {  	s30 =	sld [smem:$0x0];
	_ =	sdelay $0x2  }
0xb8: {  	s31 =	sshll.u32 s1, $0xD;
	s1 =	sshrl.u32 s1, $0x2  }
0xb9: {  	s3 =	sand.u32 $0x4000, s31;
	s1 =	sadd.s32 s1, s30  }
0xba: {  	s0 =	sor.u32 s3, s0;
	s1 =	sshll.u32 s1, $0x11  }
0xbb: {  	s0 =	sor.u32 s1, s0  }
0xbc: {  	s0 =	sadd.s32 $0x8F2B, s0  }
0xbd: {  	[sflag:s0] =	ssyncadd.remote.s32 $0x1  }
0xbe: {  	_ =	sfence.sel $0xFFFF  }
0xbf: {  	[dreg:$0x0] =	wrdreg $0xFFFFFFFF;
	(pc) =	sbr.abs _section_cstart, $3  }
0xc0: {  	[dreg:$0x1] =	wrdreg $0xFFFFFFFF  }
0xc1: {  	_ =	task.clear_ibuf [dreg:s6], $0x2FFFF;
	_ =	strace $0x9FFFFFFF  }
0xc2: {  	(tm) =	ssettm $0x7FFFFFFF  }
0xc3: {  	_ =	shalt  }
tec
execute0_lowered:
.L_overlay_start_1:
0x0: {  	(tag) =	ssettag $0x1  }
0x1: {  	s6 =	rddreg [dreg:$0x0]  }
0x2: {  	s1 =	rddreg [dreg:$0x1];
	s2 =	srdreg.scid  }
0x3: {  	s0 =	rddreg [dreg:$0x2];
	s3 =	simm.s32 $0x0;
	s16 =	simm.s32 $0x80  }
0x4: {  	s17 =	simm.s32 $0x2800;
	s18 =	simm.s32 $0x6800;
	s19 =	simm.s32 $0x1  }
0x5: {  	s20 =	simm.s32 $0x2;
	s21 =	simm.s32 $0x2700;
	s22 =	simm.s32 $0x2780  }
0x6: {  	s23 =	simm.s32 $0x0;
	s7 =	sand.u32 $0x1, s2;
	s2 =	stileid.u32  }
0x7: {  	[smem:$0x7FF] =	sst s3;
	s4 =	sadd.s32 $0x15600, s6;
	s5 =	smul.u32 $0x140000, s7  }
0x8: {  	s9 =	sadd.s32 $0x1600, s6;
	s10 =	sadd.s32 $0xB600, s6;
	s8 =	smul.u32 $0x14000, s2  }
0x9: {  	_ =	strace $0x8000004A;
	s11 =	sshll.u32 s7, $0x4;
	s7 =	ssub.s32 $0x2, s7  }
0xa: {  	s12 =	smul.u32 $0x50000, s2;
	s31 =	sshll.u32 s2, $0x6;
	s11 =	sor.u32 s2, s11  }
0xb: {  	s28 =	sshrl.u32 s7, $0x1;
	s8 =	sadd.s32 s8, s5;
	s5 =	sadd.s32 $0x3D600, s6  }
0xc: {  	s29 =	smul.u32 $0x2800, s11;
	s14 =	ssub.s32 s7, s28;
	s30 =	sshrl.u32 s12, $0x2  }
0xd: {  	s8 =	sshrl.u32 s8, $0x3;
	s15 =	sadd.s32 s30, s1;
	s12 =	smax.u32 s14, $0x1  }
0xe: {  	s14 =	simm.s32 $0x3;
	s13 =	sadd.s32 s8, s6;
	s11 =	sshrl.u32 s29, $0x3  }
0xf: {  	s7 =	sadd.s32 s9, s11;
	s8 =	sadd.s32 s10, s11;
	s11 =	sadd.s32 $0x280, s11  }
0x10: {  	s6 =	sor.u32 $0x1C03, s31;
	s9 =	sadd.s32 s9, s11;
	s10 =	sadd.s32 s10, s11  }
0x11: {  	s11 =	sadd.s32 $0x3FE00, s13;
	s13 =	sshrl.u32 s15, $0x3;
	s15 =	simm.s32 $0x1400  }
.LBB2_1:
0x12: {  	[spmem:s13], [sflag:s6] =	dma.local [hbm:s5], $0x2800  }
0x13: {  	_ =	swait.ge [sflag:s14], $0x2800  }
0x14: {  	[sflag:s14] =	ssyncset.done $0x0  }
0x15: {  	[sflag:s14] =	ssyncadd.s32 $0xFFFFD800  }
0x16: {  	[bflag:$0x0] =	sbarrier.arrive $0xFFFF  }
0x17: {  	[tilespmem:s3], [sflag:$0x3] =	stream.linear.gather [hbm4b:s7+s3], $0x1400, $0x38;
	[tilespmem:$0x1E800] =	vst v63  }
0x18: {  	_ =	swait.ge [sflag:s14], $0x1400  }
0x19: {  	[sflag:s14] =	ssyncset.done $0x0  }
0x1a: {  	[sflag:s14] =	ssyncadd.s32 $0xFFFFEC00  }
0x1b: {  	[tilespmem:s15], [sflag:$0x3] =	stream.linear.gather [hbm4b:s8+s3], $0x1400, $0x38;
	[tilespmem:$0x1E800] =	vst v63  }
0x1c: {  	_ =	swait.ge [sflag:s14], $0x1400  }
0x1d: {  	[sflag:s14] =	ssyncset.done $0x0  }
0x1e: {  	[sflag:s14] =	ssyncadd.s32 $0xFFFFEC00  }
0x1f: {  	[tilespmem:s17], [sflag:$0x1] =	stream.indirect.gather [hbm4b:s4+s16], $0x80, s3, s16, $0xb8;
	[tilespmem:$0x1E800] =	vst v63  }
0x20: {  	_ = 	snop  }
0x21: {  	[tilespmem:s18], [sflag:$0x2] =	stream.indirect.gather [hbm4b:s4+s16], $0x80, s16, s16, $0xb8;
	[tilespmem:$0x1E800] =	vst v63  }
0x22: {  	_ =	swait.ge [sflag:s19], $0x4000  }
0x23: {  	[sflag:s19] =	ssyncset.done $0x0  }
0x24: {  	s24 =	simm.s32 $0x1400;
	[sflag:s19] =	ssyncadd.s32 $0xFFFFC000  }
0x25: {  	[spmem:s1] =	stream.indirect.scatter.add.f32 [tilespmem:s17], [sflag:$0x3], $0x80, s24, s16, $0xb8;
	[tilespmem:$0x1E800] =	vst v63  }
0x26: {  	_ =	swait.ge [sflag:s14], $0x4000  }
0x27: {  	[sflag:s14] =	ssyncset.done $0x0  }
0x28: {  	s30 =	simm.s32 $0x100;
	[sflag:s14] =	ssyncadd.s32 $0xFFFFC000  }
0x29: {  	[tilespmem:s17], [sflag:$0x1] =	stream.indirect.gather [hbm4b:s4+s16], $0x80, s30, s16, $0xb8;
	[tilespmem:$0x1E800] =	vst v63  }
0x2a: {  	_ =	swait.ge [sflag:s20], $0x4000  }
0x2b: {  	[sflag:s20] =	ssyncset.done $0x0  }
0x2c: {  	s31 =	simm.s32 $0x1480;
	[sflag:s20] =	ssyncadd.s32 $0xFFFFC000  }
0x2d: {  	[spmem:s1] =	stream.indirect.scatter.add.f32 [tilespmem:s18], [sflag:$0x3], $0x80, s31, s16, $0xb8;
	[tilespmem:$0x1E800] =	vst v63  }
0x2e: {  	_ =	swait.ge [sflag:s14], $0x4000  }
0x2f: {  	[sflag:s14] =	ssyncset.done $0x0  }
0x30: {  	s25 =	simm.s32 $0x180;
	s24 =	simm.s32 $0x400;
	[sflag:s14] =	ssyncadd.s32 $0xFFFFC000  }
.LBB2_2:
0x31: {  	[tilespmem:s18], [sflag:$0x2] =	stream.indirect.gather [hbm4b:s4+s16], $0x80, s25, s16, $0xb8;
	[tilespmem:$0x1E800] =	vst v63  }
0x32: {  	s25 =	smov.u32 s24  }
0x33: {  	p0 =	sne.s32 s24, $0x4800;
	s24 =	sadd.s32 $0x400, s24;
	_ =	swait.ge [sflag:s19], $0x4000  }
0x34: {  	s25 =	sshra.s32 s25, $0x2;
	[sflag:s19] =	ssyncset.done $0x0  }
0x35: {  	s26 =	sadd.s32 $0x1400, s25;
	[sflag:s19] =	ssyncadd.s32 $0xFFFFC000  }
0x36: {  	[spmem:s1] =	stream.indirect.scatter.add.f32 [tilespmem:s17], [sflag:$0x3], $0x80, s26, s16, $0xb8;
	[tilespmem:$0x1E800] =	vst v63  }
0x37: {  	_ =	swait.ge [sflag:s14], $0x4000  }
0x38: {  	[sflag:s14] =	ssyncset.done $0x0  }
0x39: {  	s26 =	sadd.s32 $0x100, s25;
	[sflag:s14] =	ssyncadd.s32 $0xFFFFC000  }
0x3a: {  	[tilespmem:s17], [sflag:$0x1] =	stream.indirect.gather [hbm4b:s4+s16], $0x80, s26, s16, $0xb8;
	[tilespmem:$0x1E800] =	vst v63  }
0x3b: {  	_ =	swait.ge [sflag:s20], $0x4000  }
0x3c: {  	[sflag:s20] =	ssyncset.done $0x0  }
.Ltmp0:
0x3d: {  	s26 =	sadd.s32 $0x1480, s25;
	[sflag:s20] =	ssyncadd.s32 $0xFFFFC000;
	(pc) =	sbr.rel @p0 .LBB2_2-.Ltmp0, $4  }
0x3e: {  	[spmem:s1] =	stream.indirect.scatter.add.f32 [tilespmem:s18], [sflag:$0x3], $0x80, s26, s16, $0xb8;
	[tilespmem:$0x1E800] =	vst v63  }
0x3f: {  	_ =	swait.ge [sflag:s14], $0x4000  }
0x40: {  	[sflag:s14] =	ssyncset.done $0x0  }
0x41: {  	s25 =	sadd.s32 $0x180, s25;
	[sflag:s14] =	ssyncadd.s32 $0xFFFFC000  }
0x42: {  	[tilespmem:s18], [sflag:$0x2] =	stream.indirect.gather [hbm4b:s4+s16], $0x80, s25, s16, $0xb8;
	[tilespmem:$0x1E800] =	vst v63  }
0x43: {  	_ =	swait.ge [sflag:s19], $0x4000  }
0x44: {  	[sflag:s19] =	ssyncset.done $0x0  }
0x45: {  	[sflag:s19] =	ssyncadd.s32 $0xFFFFC000  }
0x46: {  	[spmem:s1] =	stream.indirect.scatter.add.f32 [tilespmem:s17], [sflag:$0x3], $0x80, s21, s16, $0xb8;
	[tilespmem:$0x1E800] =	vst v63  }
0x47: {  	_ =	swait.ge [sflag:s14], $0x4000  }
0x48: {  	[sflag:s14] =	ssyncset.done $0x0  }
0x49: {  	[sflag:s14] =	ssyncadd.s32 $0xFFFFC000  }
0x4a: {  	_ =	swait.ge [sflag:s20], $0x4000  }
0x4b: {  	[sflag:s20] =	ssyncset.done $0x0  }
0x4c: {  	[sflag:s20] =	ssyncadd.s32 $0xFFFFC000  }
0x4d: {  	[spmem:s1] =	stream.indirect.scatter.add.f32 [tilespmem:s18], [sflag:$0x3], $0x80, s22, s16, $0xb8;
	[tilespmem:$0x1E800] =	vst v63  }
0x4e: {  	_ =	swait.ge [sflag:s14], $0x4000  }
0x4f: {  	[sflag:s14] =	ssyncset.done $0x0  }
0x50: {  	s24 =	simm.s32 $0x0;
	[sflag:s14] =	ssyncadd.s32 $0xFFFFC000  }
0x51: {  	[tilespmem:s24], [sflag:$0x3] =	stream.linear.gather [hbm4b:s9+s24], $0x1400, $0x38;
	[tilespmem:$0x1E800] =	vst v63  }
0x52: {  	_ =	swait.ge [sflag:s14], $0x1400  }
0x53: {  	[sflag:s14] =	ssyncset.done $0x0  }
0x54: {  	[sflag:s14] =	ssyncadd.s32 $0xFFFFEC00  }
0x55: {  	[tilespmem:s15], [sflag:$0x3] =	stream.linear.gather [hbm4b:s10+s24], $0x1400, $0x38;
	[tilespmem:$0x1E800] =	vst v63  }
0x56: {  	_ =	swait.ge [sflag:s14], $0x1400  }
0x57: {  	[sflag:s14] =	ssyncset.done $0x0  }
0x58: {  	[sflag:s14] =	ssyncadd.s32 $0xFFFFEC00  }
0x59: {  	[tilespmem:s17], [sflag:$0x1] =	stream.indirect.gather [hbm4b:s4+s16], $0x80, s24, s16, $0xb8;
	[tilespmem:$0x1E800] =	vst v63  }
0x5a: {  	_ = 	snop  }
0x5b: {  	[tilespmem:s18], [sflag:$0x2] =	stream.indirect.gather [hbm4b:s4+s16], $0x80, s16, s16, $0xb8;
	[tilespmem:$0x1E800] =	vst v63  }
0x5c: {  	_ =	swait.ge [sflag:s19], $0x4000  }
0x5d: {  	[sflag:s19] =	ssyncset.done $0x0  }
0x5e: {  	s29 =	simm.s32 $0x1400;
	[sflag:s19] =	ssyncadd.s32 $0xFFFFC000  }
0x5f: {  	[spmem:s1] =	stream.indirect.scatter.add.f32 [tilespmem:s17], [sflag:$0x3], $0x80, s29, s16, $0xb8;
	[tilespmem:$0x1E800] =	vst v63  }
0x60: {  	_ =	swait.ge [sflag:s14], $0x4000  }
0x61: {  	[sflag:s14] =	ssyncset.done $0x0  }
0x62: {  	s30 =	simm.s32 $0x100;
	[sflag:s14] =	ssyncadd.s32 $0xFFFFC000  }
0x63: {  	[tilespmem:s17], [sflag:$0x1] =	stream.indirect.gather [hbm4b:s4+s16], $0x80, s30, s16, $0xb8;
	[tilespmem:$0x1E800] =	vst v63  }
0x64: {  	_ =	swait.ge [sflag:s20], $0x4000  }
0x65: {  	[sflag:s20] =	ssyncset.done $0x0  }
0x66: {  	s31 =	simm.s32 $0x1480;
	[sflag:s20] =	ssyncadd.s32 $0xFFFFC000  }
0x67: {  	[spmem:s1] =	stream.indirect.scatter.add.f32 [tilespmem:s18], [sflag:$0x3], $0x80, s31, s16, $0xb8;
	[tilespmem:$0x1E800] =	vst v63  }
0x68: {  	_ =	swait.ge [sflag:s14], $0x4000  }
0x69: {  	[sflag:s14] =	ssyncset.done $0x0  }
0x6a: {  	s25 =	simm.s32 $0x180;
	s24 =	simm.s32 $0x400;
	[sflag:s14] =	ssyncadd.s32 $0xFFFFC000  }
.LBB2_4:
0x6b: {  	[tilespmem:s18], [sflag:$0x2] =	stream.indirect.gather [hbm4b:s4+s16], $0x80, s25, s16, $0xb8;
	[tilespmem:$0x1E800] =	vst v63  }
0x6c: {  	s25 =	smov.u32 s24  }
0x6d: {  	p0 =	sne.s32 s24, $0x4800;
	s24 =	sadd.s32 $0x400, s24;
	_ =	swait.ge [sflag:s19], $0x4000  }
0x6e: {  	s25 =	sshra.s32 s25, $0x2;
	[sflag:s19] =	ssyncset.done $0x0  }
0x6f: {  	s26 =	sadd.s32 $0x1400, s25;
	[sflag:s19] =	ssyncadd.s32 $0xFFFFC000  }
0x70: {  	[spmem:s1] =	stream.indirect.scatter.add.f32 [tilespmem:s17], [sflag:$0x3], $0x80, s26, s16, $0xb8;
	[tilespmem:$0x1E800] =	vst v63  }
0x71: {  	_ =	swait.ge [sflag:s14], $0x4000  }
0x72: {  	[sflag:s14] =	ssyncset.done $0x0  }
0x73: {  	s26 =	sadd.s32 $0x100, s25;
	[sflag:s14] =	ssyncadd.s32 $0xFFFFC000  }
0x74: {  	[tilespmem:s17], [sflag:$0x1] =	stream.indirect.gather [hbm4b:s4+s16], $0x80, s26, s16, $0xb8;
	[tilespmem:$0x1E800] =	vst v63  }
0x75: {  	_ =	swait.ge [sflag:s20], $0x4000  }
0x76: {  	[sflag:s20] =	ssyncset.done $0x0  }
.Ltmp1:
0x77: {  	s26 =	sadd.s32 $0x1480, s25;
	[sflag:s20] =	ssyncadd.s32 $0xFFFFC000;
	(pc) =	sbr.rel @p0 .LBB2_4-.Ltmp1, $4  }
0x78: {  	[spmem:s1] =	stream.indirect.scatter.add.f32 [tilespmem:s18], [sflag:$0x3], $0x80, s26, s16, $0xb8;
	[tilespmem:$0x1E800] =	vst v63  }
0x79: {  	_ =	swait.ge [sflag:s14], $0x4000  }
0x7a: {  	[sflag:s14] =	ssyncset.done $0x0  }
0x7b: {  	s25 =	sadd.s32 $0x180, s25;
	[sflag:s14] =	ssyncadd.s32 $0xFFFFC000  }
0x7c: {  	[tilespmem:s18], [sflag:$0x2] =	stream.indirect.gather [hbm4b:s4+s16], $0x80, s25, s16, $0xb8;
	[tilespmem:$0x1E800] =	vst v63  }
0x7d: {  	_ =	swait.ge [sflag:s19], $0x4000  }
0x7e: {  	[sflag:s19] =	ssyncset.done $0x0  }
0x7f: {  	[sflag:s19] =	ssyncadd.s32 $0xFFFFC000  }
0x80: {  	[spmem:s1] =	stream.indirect.scatter.add.f32 [tilespmem:s17], [sflag:$0x3], $0x80, s21, s16, $0xb8;
	[tilespmem:$0x1E800] =	vst v63  }
0x81: {  	_ =	swait.ge [sflag:s14], $0x4000  }
0x82: {  	[sflag:s14] =	ssyncset.done $0x0  }
0x83: {  	[sflag:s14] =	ssyncadd.s32 $0xFFFFC000  }
0x84: {  	_ =	swait.ge [sflag:s20], $0x4000  }
0x85: {  	[sflag:s20] =	ssyncset.done $0x0  }
0x86: {  	[sflag:s20] =	ssyncadd.s32 $0xFFFFC000  }
0x87: {  	[spmem:s1] =	stream.indirect.scatter.add.f32 [tilespmem:s18], [sflag:$0x3], $0x80, s22, s16, $0xb8;
	[tilespmem:$0x1E800] =	vst v63  }
0x88: {  	_ =	swait.ge [sflag:s14], $0x4000  }
0x89: {  	s23 =	sadd.s32 $0x1, s23;
	[sflag:s14] =	ssyncset.done $0x0  }
0x8a: {  	p0 =	sne.s32 s23, s12;
	[sflag:s14] =	ssyncadd.s32 $0xFFFFC000  }
.Ltmp2:
0x8b: {  	[bflag:$0x0] =	sbarrier.arrive $0xFFFF;
	(pc) =	sbr.rel @p0 .LBB2_1-.Ltmp2, $4  }
0x8c: {  	[hbm:s11], [sflag:s6] =	dma.local [spmem:s13], $0x2800  }
0x8d: {  	_ =	swait.ge [sflag:s14], $0x2800  }
0x8e: {  	[sflag:s14] =	ssyncset.done $0x0  }
0x8f: {  	[sflag:s14] =	ssyncadd.s32 $0xFFFFD800  }
0x90: {  	_ =	sfence.sel $0x180000  }
0x91: {  	[bflag:$0x0] =	sbarrier.arrive $0xFFFF  }
0x92: {  	p0 =	sne.s32 s2, $0x0;
	_ =	strace $0x9000004A  }
0x93: {  	s0 =	sadd.s32 @!p0 $0x100000, s0;
	[bflag:$0x2] =	sbarrier.arrive $0xFFFF  }
0x94: {  	[sflag:s0] =	ssyncadd.tile.s32 @!p0 $0x1;
	_ =	shalt  }
.Lfunc_end2:
_tile_overlayer_lowered:
.L_overlay_start_2:
0x95: {  	(tag) =	ssettag $0x2  }
0x96: {  	s0 =	rddreg [dreg:$0x0];
	s2 =	stileid.u32  }
0x97: {  	s1 =	rddreg [dreg:$0x1];
	p0 =	sne.s32 s2, $0x0  }
0x98: {  	s3 =	rddreg [dreg:$0x2];
	[bflag:$0x3] =	sbarrier.arrive $0xFFFF;
	s2 =	simm.s32 @!p0 $0x1C03  }
0x99: {  	[timem:s3], [sflag:s2] =	dma.local @!p0 [hbm:s0], s1  }
0x9a: {  	s0 =	simm.s32 @!p0 $0x3  }
0x9b: {  	_ =	swait.ge @!p0 [sflag:s0], s1  }
0x9c: {  	s1 =	ssub.s32 @!p0 $0x0, s1;
	[sflag:s0] =	ssyncset.done @!p0 $0x0  }
0x9d: {  	[sflag:s0] =	ssyncadd.s32 @!p0 s1  }
0x9e: {  	[bflag:$0x3] =	sbarrier.arrive $0xFFFF  }
0x9f: {  	_ =	shalt  }

// kernel: kernel.16.cloned.1.call-start
scs
__scs_entry_jumppad:
0x0: {  	(pc) =	sbr.rel $0x88, $3  }
0x1: {  	(tag) =	ssettag $0x0;
	lr =	simm.s32 $0x1  }
0x2: {  	[smem:$0x3F9B] =	sst lr;
	_ =	strace $0xD0000000  }
0x3: {  	_ = 	snop  }
0x4: {  	_ = 	snop  }
0x5: {  	_ = 	snop  }
0x6: {  	_ = 	snop  }
0x7: {  	_ = 	snop  }
__scs_overlays_trampoline_lowered:
0x8: {  	[smem:$0x3FAA] =	sst s0  }
0x9: {  	[smem:$0x3FAB] =	sst s1  }
0xa: {  	[smem:$0x3FAC] =	sst s2  }
0xb: {  	[smem:$0x3FAD] =	sst s3  }
0xc: {  	[smem:$0x3FAE] =	sst s4  }
0xd: {  	[smem:$0x3FAF] =	sst s5  }
0xe: {  	[smem:$0x3FB0] =	sst s6  }
0xf: {  	[smem:$0x3FB1] =	sst s7  }
0x10: {  	[smem:$0x3FB2] =	sst s8  }
0x11: {  	[smem:$0x3FB3] =	sst s9;
	s0 =	simm.s32 @!p0 $0x0  }
0x12: {  	s1 =	sld [smem:$0x3F99];
	s0 =	simm.s32 @p0 $0x1  }
0x13: {  	[smem:$0x3FB4] =	sst s0;
	s0 =	simm.s32 @!p1 $0x0  }
0x14: {  	s2 =	sld [smem:$0x3F98];
	s0 =	simm.s32 @p1 $0x1  }
0x15: {  	[smem:$0x3FB5] =	sst s0;
	s0 =	simm.s32 @!p2 $0x0  }
0x16: {  	s3 =	sld [smem:$0x3FDB];
	s0 =	simm.s32 @p2 $0x1  }
0x17: {  	s4 =	simm.s32 $0x1BF5;
	[smem:$0x3FB7] =	sst s0  }
0x18: {  	s0 =	sld [smem:$0x3F9A];
	_ =	swait.ge [sflag:s4], $0x0  }
0x19: {  	s7 =	sld [smem:$0x3F9B]  }
0x1a: {  	s8 =	sadd.s32 $0xFFFFE003, lr  }
0x1b: {  	s9 =	sadd.s32 $0xFFFFFEF7, lr;
	s5 =	simm.s32 $0xFFFFFFFF;
	p2 =	slt.u32 s8, $0xFFFFF086  }
0x1c: {  	p1 =	slt.u32 s9, $0xF7A;
	s5 =	simm.s32 @!p2 $0x0  }
0x1d: {  	s5 =	simm.s32 @p1 $0x1;
	p0 =	seq.s32 s7, s2  }
0x1e: {  	s7 =	smul.u32 @!p0 $0xF7A, s2;
	p2 =	seq.s32 @!p0 s5, $0x0  }
0x1f: {  	s9 =	smul.u32 $0xF7A, s1;
	s8 =	simm.s32 @!p0 $0x1BF5;
	p2 =	por !p2, p0  }
0x20: {  	[sflag:s8] =	ssyncset.s32 @!p0 $0xFFFFF086;
	s6 =	sadd.s32 @!p0 s3, s7;
	s7 =	simm.s32 @!p0 $0x108  }
0x21: {  	s3 =	sadd.s32 s3, s9;
	s6 =	sadd.s32 @!p0 $0x88, s6;
	s7 =	simm.s32 @p2 $0x1082  }
0x22: {  	[simem:s7], [sflag:s8] =	dma.local @!p0 [hbm:s6], $0xF7A  }
0x23: {  	s9 =	sor.u32 $0xD0000000, s2;
	s6 =	simm.s32 $0x108;
	_ =	swait.ge @!p0 [sflag:s8], $0x0  }
0x24: {  	s3 =	sadd.s32 $0x88, s3;
	s6 =	simm.s32 @!p1 $0x1082;
	[sflag:s4] =	ssyncset.s32 $0xFFFFF086  }
0x25: {  	[simem:s6], [sflag:s4] =	dma.local [hbm:s3], $0xF7A  }
0x26: {  	[smem:$0x3F9B] =	sst s1;
	(tag) =	ssettag s2;
	_ =	strace s9  }
0x27: {  	s1 =	sld [smem:$0x3FAB]  }
0x28: {  	s2 =	sld [smem:$0x3FAC]  }
0x29: {  	s4 =	sld [smem:$0x3FAE]  }
0x2a: {  	p0 =	seq.s32 s5, $0x0;
	s5 =	sld [smem:$0x3FAF]  }
0x2b: {  	s6 =	sld [smem:$0x3FB0]  }
0x2c: {  	s7 =	sld [smem:$0x3FB1]  }
0x2d: {  	s3 =	simm.s32 $0x108;
	s8 =	sld [smem:$0x3FB2]  }
0x2e: {  	s3 =	simm.s32 @!p0 $0x1082;
	s9 =	sld [smem:$0x3FB3]  }
0x2f: {  	lr =	sadd.s32 s0, s3;
	s0 =	sld [smem:$0x3FAA]  }
0x30: {  	s3 =	sld [smem:$0x3FAD]  }
0x31: {  	[smem:$0x3FB6] =	sst s10  }
0x32: {  	s10 =	sld [smem:$0x3FB4];
	_ =	sdelay $0x3  }
0x33: {  	p0 =	seq.s32 s10, $0x1;
	s10 =	sld [smem:$0x3FB6];
	_ =	sdelay $0x3  }
0x34: {  	[smem:$0x3FB6] =	sst s10  }
0x35: {  	s10 =	sld [smem:$0x3FB5];
	_ =	sdelay $0x3  }
0x36: {  	p1 =	seq.s32 s10, $0x1;
	s10 =	sld [smem:$0x3FB6];
	_ =	sdelay $0x3  }
0x37: {  	[smem:$0x3FB6] =	sst s10  }
0x38: {  	s10 =	sld [smem:$0x3FB7]  }
0x39: {  	_ = 	snop;
	(pc) =	sbr.ind lr, $3  }
0x3a: {  	_ = 	snop  }
0x3b: {  	_ = 	snop  }
0x3c: {  	p2 =	seq.s32 s10, $0x1;
	s10 =	sld [smem:$0x3FB6]  }
0x3d: {  	_ =	shalt  }
0x3e: {  	_ =	shalt  }
0x3f: {  	_ =	shalt  }
0x40: {  	_ =	shalt  }
0x41: {  	_ =	shalt  }
0x42: {  	_ =	shalt  }
0x43: {  	_ =	shalt  }
0x44: {  	_ =	shalt  }
0x45: {  	_ =	shalt  }
0x46: {  	_ =	shalt  }
0x47: {  	_ =	shalt  }
0x48: {  	_ =	shalt  }
0x49: {  	_ =	shalt  }
0x4a: {  	_ =	shalt  }
0x4b: {  	_ =	shalt  }
0x4c: {  	_ =	shalt  }
0x4d: {  	_ =	shalt  }
0x4e: {  	_ =	shalt  }
0x4f: {  	_ =	shalt  }
0x50: {  	_ =	shalt  }
0x51: {  	_ =	shalt  }
0x52: {  	_ =	shalt  }
0x53: {  	_ =	shalt  }
0x54: {  	_ =	shalt  }
0x55: {  	_ =	shalt  }
0x56: {  	_ =	shalt  }
0x57: {  	_ =	shalt  }
0x58: {  	_ =	shalt  }
0x59: {  	_ =	shalt  }
0x5a: {  	_ =	shalt  }
0x5b: {  	_ =	shalt  }
0x5c: {  	_ =	shalt  }
0x5d: {  	_ =	shalt  }
0x5e: {  	_ =	shalt  }
0x5f: {  	_ =	shalt  }
0x60: {  	_ =	shalt  }
0x61: {  	_ =	shalt  }
0x62: {  	_ =	shalt  }
0x63: {  	_ =	shalt  }
0x64: {  	_ =	shalt  }
0x65: {  	_ =	shalt  }
0x66: {  	_ =	shalt  }
0x67: {  	_ =	shalt  }
0x68: {  	_ =	shalt  }
0x69: {  	_ =	shalt  }
0x6a: {  	_ =	shalt  }
0x6b: {  	_ =	shalt  }
0x6c: {  	_ =	shalt  }
0x6d: {  	_ =	shalt  }
0x6e: {  	_ =	shalt  }
0x6f: {  	_ =	shalt  }
0x70: {  	_ =	shalt  }
0x71: {  	_ =	shalt  }
0x72: {  	_ =	shalt  }
0x73: {  	_ =	shalt  }
0x74: {  	_ =	shalt  }
0x75: {  	_ =	shalt  }
0x76: {  	_ =	shalt  }
0x77: {  	_ =	shalt  }
0x78: {  	_ =	shalt  }
0x79: {  	_ =	shalt  }
0x7a: {  	_ =	shalt  }
0x7b: {  	_ =	shalt  }
0x7c: {  	_ =	shalt  }
0x7d: {  	_ =	shalt  }
0x7e: {  	_ =	shalt  }
0x7f: {  	_ =	shalt  }
0x80: {  	_ =	shalt  }
0x81: {  	_ =	shalt  }
0x82: {  	_ =	shalt  }
0x83: {  	_ =	shalt  }
0x84: {  	_ =	shalt  }
0x85: {  	_ =	shalt  }
0x86: {  	_ =	shalt  }
0x87: {  	_ =	shalt  }
.Lfunc_end0:
.L_simem_size_0:
called_computation.2_lowered:
.L_overlay_start_0:
0x88: {  	s2 =	sld [smem:$0x3FD9]  }
0x89: {  	s3 =	sld [smem:$0x3FFE];
	_ =	sdelay $0x1  }
0x8a: {  	s1 =	srdreg.scid  }
0x8b: {  	s0 =	sand.u32 $0x1, s1  }
0x8c: {  	s17 =	sshll.u32 s0, $0xA;
	s2 =	sadd.s32 s3, s2  }
0x8d: {  	s2 =	sadd.s32 s2, s17  }
0x8e: {  	[smem:$0x3FC2] =	sst s2  }
0x8f: {  	_ = 	snop  }
0x90: {  	s2 =	sld [smem:$0x3FD0];
	(tm) =	ssettm $0x1  }
0x91: {  	s18 =	sld [smem:$0x3FFB];
	_ =	sdelay $0x3  }
0x92: {  	_ =	strace s18  }
0x93: {  	s3 =	sld [smem:$0x3FFC];
	_ =	sdelay $0x3  }
0x94: {  	_ =	strace s3  }
0x95: {  	s3 =	sld [smem:$0x3FFD];
	_ =	sdelay $0x3  }
0x96: {  	_ =	strace s3  }
0x97: {  	_ =	strace $0x8FFFFFFF  }
0x98: {  	s19 =	sld [smem:$0x3FDB];
	_ =	sdelay $0x1  }
0x99: {  	s4 =	simm.s32 $_scs_section_size  }
0x9a: {  	s5 =	simm.s32 $_size__tile_overlayer_lowered;
	s6 =	simm.s32 $_tile_overlayer_lowered  }
0x9b: {  	s22 =	simm.s32 $0x1BFF;
	s21 =	sshll.u32 s6, $0x1;
	s3 =	sadd.s32 s4, s19  }
0x9c: {  	s7 =	simm.s32 $0x0;
	s20 =	sshll.u32 s5, $0x1;
	s5 =	sadd.s32 s21, s3  }
0x9d: {  	[timem:s7], [sflag:s22] =	dma.local [hbm:s5], s20  }
0x9e: {  	_ =	swait.ge [sflag:s22], s20  }
0x9f: {  	s4 =	ssub.s32 $0x0, s20;
	[sflag:s22] =	ssyncset.done $0x0  }
0xa0: {  	[sflag:s22] =	ssyncadd.s32 s4;
	_ =	sdelay $0x1  }
0xa1: {  	s23 =	simm.s32 $0x1B8B  }
0xa2: {  	_ =	swait.ge [sflag:s23], $0x1  }
0xa3: {  	[sflag:s23] =	ssyncset.done $0x0  }
0xa4: {  	s25 =	simm.s32 $0x1B8E;
	s24 =	sld [smem:$0x3FFE];
	[sflag:s23] =	ssyncadd.s32 $0xFFFFFFFF  }
0xa5: {  	s26 =	simm.s32 $execute0_lowered;
	[smem:$0x3FD2] =	sst s25  }
0xa6: {  	s5 =	sshll.u32 s26, $0x1;
	_ =	strace $0x8000004C;
	[dreg:$0x1] =	wrdreg $0xFFFFFFFF  }
0xa7: {  	s28 =	simm.s32 $_size_execute0_lowered;
	s3 =	sadd.s32 s3, s5;
	[dreg:$0x0] =	wrdreg $0x0  }
0xa8: {  	s5 =	sshll.u32 s28, $0x1;
	[dreg:$0x2] =	wrdreg s3  }
0xa9: {  	[dreg:$0x3] =	wrdreg s5  }
0xaa: {  	[dreg:$0x4] =	wrdreg $0xC0  }
0xab: {  	_ =	task [dreg:s7], $0x5FFFF  }
0xac: {  	[dreg:$0x1] =	wrdreg $0xFFFFFFFF  }
0xad: {  	[dreg:$0x0] =	wrdreg $0x60  }
0xae: {  	[dreg:$0x2] =	wrdreg s24  }
0xaf: {  	[dreg:$0x3] =	wrdreg s2  }
0xb0: {  	[dreg:$0x4] =	wrdreg $0x9  }
0xb1: {  	_ =	task.clear_ibuf [dreg:s7], $0x5FFFF;
	_ =	strace $0x9000004C  }
0xb2: {  	s29 =	simm.s32 $0x9;
	_ =	strace $0x8000004E  }
0xb3: {  	_ =	swait.ge [sflag:s29], $0x1  }
0xb4: {  	[sflag:s29] =	ssyncadd.s32 $0xFFFFFFFF  }
0xb5: {  	_ =	strace $0x9000004E  }
0xb6: {  	_ =	sfence  }
0xb7: {  	s30 =	sld [smem:$0x0];
	_ =	sdelay $0x2  }
0xb8: {  	s31 =	sshll.u32 s1, $0xD;
	s1 =	sshrl.u32 s1, $0x2  }
0xb9: {  	s3 =	sand.u32 $0x4000, s31;
	s1 =	sadd.s32 s1, s30  }
0xba: {  	s0 =	sor.u32 s3, s0;
	s1 =	sshll.u32 s1, $0x11  }
0xbb: {  	s0 =	sor.u32 s1, s0  }
0xbc: {  	s0 =	sadd.s32 $0x8F2B, s0  }
0xbd: {  	[sflag:s0] =	ssyncadd.remote.s32 $0x1  }
0xbe: {  	_ =	sfence.sel $0xFFFF  }
0xbf: {  	[dreg:$0x0] =	wrdreg $0xFFFFFFFF;
	(pc) =	sbr.abs _section_cstart, $3  }
0xc0: {  	[dreg:$0x1] =	wrdreg $0xFFFFFFFF  }
0xc1: {  	_ =	task.clear_ibuf [dreg:s7], $0x2FFFF;
	_ =	strace $0x9FFFFFFF  }
0xc2: {  	(tm) =	ssettm $0x7FFFFFFF  }
0xc3: {  	_ =	shalt  }
tec
execute0_lowered:
.L_overlay_start_1:
0x0: {  	(tag) =	ssettag $0x1  }
0x1: {  	s0 =	srdreg.scid;
	s5 =	rddreg [dreg:$0x0]  }
0x2: {  	s2 =	rddreg [dreg:$0x1];
	s1 =	stileid.u32;
	s4 =	sand.u32 $0x1, s0  }
0x3: {  	s3 =	simm.s32 $0x0;
	s10 =	simm.s32 $0x1;
	s6 =	sshll.u32 s4, $0x4  }
0x4: {  	s11 =	simm.s32 $0x5000;
	s12 =	simm.s32 $0x2800;
	s6 =	sor.u32 s1, s6  }
0x5: {  	s0 =	rddreg [dreg:$0x2];
	s7 =	ssub.s32 $0x2, s4;
	s6 =	smul.u32 $0x500, s6  }
0x6: {  	s13 =	simm.s32 $0x0;
	[smem:$0x7FF] =	sst s3;
	s8 =	sshrl.u32 s7, $0x1  }
0x7: {  	_ =	strace $0x8000004D;
	s8 =	ssub.s32 s7, s8;
	s9 =	sadd.s32 s6, s5  }
0x8: {  	s4 =	sadd.s32 $0x15600, s5;
	s8 =	smax.u32 s8, $0x1;
	s5 =	sadd.s32 $0x1600, s9  }
0x9: {  	s6 =	sadd.s32 $0xB600, s9;
	s7 =	sadd.s32 $0x15C00, s9;
	s9 =	simm.s32 $0x7800  }
.LBB2_1:
0xa: {  	[tilespmem:s9], [sflag:$0x1] =	stream.linear.gather [hbm4b:s2+s3], $0x2800, $0x38;
	[tilespmem:$0xA000] =	vst v63  }
0xb: {  	_ =	swait.ge [sflag:s10], $0x2800  }
0xc: {  	[sflag:s10] =	ssyncset.done $0x0  }
0xd: {  	[sflag:s10] =	ssyncadd.s32 $0xFFFFD800  }
0xe: {  	[tilespmem:s11], [sflag:$0x1] =	stream.linear.gather [hbm4b:s4+s3], $0x2800, $0x38;
	[tilespmem:$0xA000] =	vst v63  }
0xf: {  	_ =	swait.ge [sflag:s10], $0x2800  }
0x10: {  	[sflag:s10] =	ssyncset.done $0x0  }
0x11: {  	[sflag:s10] =	ssyncadd.s32 $0xFFFFD800  }
0x12: {  	[tilespmem:s3], [sflag:$0x1] =	stream.linear.gather [hbm4b:s5+s3], $0x2800, $0x38;
	[tilespmem:$0xA000] =	vst v63  }
0x13: {  	_ =	swait.ge [sflag:s10], $0x2800  }
0x14: {  	[sflag:s10] =	ssyncset.done $0x0  }
0x15: {  	[sflag:s10] =	ssyncadd.s32 $0xFFFFD800  }
0x16: {  	[tilespmem:s12], [sflag:$0x1] =	stream.linear.gather [hbm4b:s6+s3], $0x2800, $0x38;
	[tilespmem:$0xA000] =	vst v63  }
0x17: {  	_ =	swait.ge [sflag:s10], $0x2800  }
0x18: {  	[sflag:s10] =	ssyncset.done $0x0  }
0x19: {  	s14 =	simm.s32 $0x0;
	[sflag:s10] =	ssyncadd.s32 $0xFFFFD800  }
.LBB2_2:
0x1a: {  	s15 =	sshra.s32 s14, $0x2  }
0x1b: {  	v0 =	vld [tilespmem:s15+$0x0];
	_ =	sdelay $0x4  }
0x1c: {  	v1 =	vld [tilespmem:s15+$0x2800];
	_ =	sdelay $0x2  }
0x1d: {  	v0 =	vld.idx.msk [tilespmem:v0+s11+$0x0], $0xffff;
	_ =	sdelay $0x4  }
0x1e: {  	[tilespmem:v1+s9+$0x0] =	vst.idx.add.f32.msk $0xffff, v0  }
0x1f: {  	v0 =	vld [tilespmem:s15+$0x10];
	_ =	sdelay $0x4  }
0x20: {  	v1 =	vld [tilespmem:s15+$0x2810];
	_ =	sdelay $0x2  }
0x21: {  	v0 =	vld.idx.msk [tilespmem:v0+s11+$0x0], $0xffff;
	_ =	sdelay $0x4  }
0x22: {  	[tilespmem:v1+s9+$0x0] =	vst.idx.add.f32.msk $0xffff, v0  }
0x23: {  	v0 =	vld [tilespmem:s15+$0x20];
	_ =	sdelay $0x4  }
0x24: {  	v1 =	vld [tilespmem:s15+$0x2820];
	_ =	sdelay $0x2  }
0x25: {  	v0 =	vld.idx.msk [tilespmem:v0+s11+$0x0], $0xffff;
	_ =	sdelay $0x4  }
0x26: {  	[tilespmem:v1+s9+$0x0] =	vst.idx.add.f32.msk $0xffff, v0  }
0x27: {  	v0 =	vld [tilespmem:s15+$0x30];
	_ =	sdelay $0x4  }
0x28: {  	v1 =	vld [tilespmem:s15+$0x2830];
	_ =	sdelay $0x2  }
0x29: {  	v0 =	vld.idx.msk [tilespmem:v0+s11+$0x0], $0xffff;
	_ =	sdelay $0x4  }
0x2a: {  	[tilespmem:v1+s9+$0x0] =	vst.idx.add.f32.msk $0xffff, v0  }
0x2b: {  	v0 =	vld [tilespmem:s15+$0x40];
	_ =	sdelay $0x4  }
0x2c: {  	v1 =	vld [tilespmem:s15+$0x2840];
	_ =	sdelay $0x2  }
0x2d: {  	v0 =	vld.idx.msk [tilespmem:v0+s11+$0x0], $0xffff;
	_ =	sdelay $0x4  }
0x2e: {  	[tilespmem:v1+s9+$0x0] =	vst.idx.add.f32.msk $0xffff, v0  }
0x2f: {  	v0 =	vld [tilespmem:s15+$0x50];
	_ =	sdelay $0x4  }
0x30: {  	v1 =	vld [tilespmem:s15+$0x2850];
	_ =	sdelay $0x2  }
0x31: {  	v0 =	vld.idx.msk [tilespmem:v0+s11+$0x0], $0xffff;
	_ =	sdelay $0x4  }
0x32: {  	[tilespmem:v1+s9+$0x0] =	vst.idx.add.f32.msk $0xffff, v0  }
0x33: {  	v0 =	vld [tilespmem:s15+$0x60];
	_ =	sdelay $0x4  }
0x34: {  	v1 =	vld [tilespmem:s15+$0x2860];
	_ =	sdelay $0x2  }
0x35: {  	v0 =	vld.idx.msk [tilespmem:v0+s11+$0x0], $0xffff;
	_ =	sdelay $0x4  }
0x36: {  	[tilespmem:v1+s9+$0x0] =	vst.idx.add.f32.msk $0xffff, v0  }
0x37: {  	v0 =	vld [tilespmem:s15+$0x70];
	_ =	sdelay $0x4  }
0x38: {  	v1 =	vld [tilespmem:s15+$0x2870];
	_ =	sdelay $0x2  }
0x39: {  	p0 =	sne.s32 s14, $0x9E00;
	v0 =	vld.idx.msk [tilespmem:v0+s11+$0x0], $0xffff  }
.Ltmp0:
0x3a: {  	_ = 	snop;
	(pc) =	sbr.rel @p0 .LBB2_2-.Ltmp0, $2  }
0x3b: {  	_ =	sdelay $0x2  }
0x3c: {  	s14 =	sadd.s32 $0x200, s14;
	[tilespmem:v1+s9+$0x0] =	vst.idx.add.f32.msk $0xffff, v0  }
0x3d: {  	s13 =	sadd.s32 $0x1, s13  }
0x3e: {  	p0 =	sne.s32 s13, s8  }
.Ltmp1:
0x3f: {  	_ = 	snop;
	(pc) =	sbr.rel @p0 .LBB2_1-.Ltmp1, $4  }
0x40: {  	[hbm4b:s7+s3] =	stream.linear.scatter [tilespmem:s9], [sflag:$0x1], $0x2800, $0x38;
	[tilespmem:$0xA000] =	vst v63  }
0x41: {  	_ =	swait.ge [sflag:s10], $0x2800  }
0x42: {  	[sflag:s10] =	ssyncset.done $0x0  }
0x43: {  	[sflag:s10] =	ssyncadd.s32 $0xFFFFD800  }
0x44: {  	_ =	sfence.sel $0x180000  }
0x45: {  	[bflag:$0x0] =	sbarrier.arrive $0xFFFF  }
0x46: {  	p0 =	sne.s32 s1, $0x0;
	_ =	strace $0x9000004D  }
0x47: {  	s0 =	sadd.s32 @!p0 $0x100000, s0;
	[bflag:$0x2] =	sbarrier.arrive $0xFFFF  }
0x48: {  	[sflag:s0] =	ssyncadd.tile.s32 @!p0 $0x1;
	_ =	shalt  }
.Lfunc_end2:
_tile_overlayer_lowered:
.L_overlay_start_2:
0x49: {  	(tag) =	ssettag $0x2  }
0x4a: {  	s0 =	rddreg [dreg:$0x0];
	s2 =	stileid.u32  }
0x4b: {  	s1 =	rddreg [dreg:$0x1];
	p0 =	sne.s32 s2, $0x0  }
0x4c: {  	s3 =	rddreg [dreg:$0x2];
	[bflag:$0x3] =	sbarrier.arrive $0xFFFF;
	s2 =	simm.s32 @!p0 $0x1C01  }
0x4d: {  	[timem:s3], [sflag:s2] =	dma.local @!p0 [hbm:s0], s1  }
0x4e: {  	s0 =	simm.s32 @!p0 $0x1  }
0x4f: {  	_ =	swait.ge @!p0 [sflag:s0], s1  }
0x50: {  	s1 =	ssub.s32 @!p0 $0x0, s1;
	[sflag:s0] =	ssyncset.done @!p0 $0x0  }
0x51: {  	[sflag:s0] =	ssyncadd.s32 @!p0 s1  }
0x52: {  	[bflag:$0x3] =	sbarrier.arrive $0xFFFF  }
0x53: {  	_ =	shalt  }

</sc_bundles>
